<compile_context>
chip_gen: v7x
topology: tpu7x:2x2x1
jax: 0.10.2.dev20260603
libtpu: 0.0.44.dev20260713+nightly
codegen_flags: <defaults>
</compile_context>

<pallas_src>
import functools

import jax
import jax.numpy as jnp
from jax import lax
from jax.experimental import pallas as pl
from jax.experimental.pallas import tpu as pltpu
from jax.experimental.pallas import tpu_sc as plsc

N = 10000
E = 320000
D = 128
H = 128
C = 2
G = 64

NC = 2
NS = 16
NW = NC * NS
EPW = E // NW
K = 80
NCHUNK = 125
EPWP = NCHUNK * K
N_ACC = 10240
RPT = N_ACC // NS
ZR = 128

N_PAD = 10240
RB = 1024
NG = N_PAD // RB

_MESH = plsc.VectorSubcoreMesh(core_axis_name="c", subcore_axis_name="s")



def _deg_body(dst_hbm, out_hbm, didx, degbuf):
    c = lax.axis_index("c")
    s = lax.axis_index("s")
    wid = c * NS + s
    zero16 = jnp.zeros((16,), jnp.float32)
    ones16 = jnp.ones((16,), jnp.float32)

    def zfill(i, _):
        degbuf[pl.ds(i * 16, 16)] = zero16
        return 0

    lax.fori_loop(0, N_PAD // 16, zfill, 0)
    pltpu.sync_copy(dst_hbm.at[pl.ds(wid * EPW, EPW)], didx)

    def count(i, _):
        idx = didx[pl.ds(i * 16, 16)]
        plsc.addupdate_scatter(degbuf, [idx], ones16)
        return 0

    lax.fori_loop(0, EPW // 16, count, 0)
    pltpu.sync_copy(degbuf, out_hbm.at[pl.ds(wid * N_PAD, N_PAD)])


_deg_call = functools.partial(
    pl.kernel,
    out_type=jax.ShapeDtypeStruct((NW * N_PAD,), jnp.float32),
    mesh=_MESH,
    scratch_types=[
        pltpu.VMEM((EPW,), jnp.int32),
        pltpu.VMEM((N_PAD,), jnp.float32),
    ],
    compiler_params=pltpu.CompilerParams(needs_layout_passes=False),
)(_deg_body)


def _edge_body(y_hbm, src_hbm, dst_hbm, out_hbm, sidx, didx, rows0,
               acc, gsem0):
    c = lax.axis_index("c")
    s = lax.axis_index("s")
    wid = c * NS + s
    zero16 = jnp.zeros((16,), jnp.float32)

    def zrow(r, _):
        for c8 in range(H // 16):
            rows0[r, pl.ds(c8 * 16, 16)] = zero16
        return 0

    ZC = min(K, 128)
    lax.fori_loop(0, ZC, zrow, 0)
    for rep in range(RPT // 64):
        pltpu.sync_copy(rows0.at[pl.ds(0, 64)], acc.at[pl.ds(s * RPT + rep * 64, 64)])
    plsc.subcore_barrier()

    def chunk(ch, _):
        base = wid * EPWP + ch * K
        pltpu.sync_copy(src_hbm.at[pl.ds(base, K)], sidx)
        pltpu.sync_copy(dst_hbm.at[pl.ds(base, K)], didx)
        pltpu.async_copy(y_hbm.at[sidx], rows0, gsem0).wait()
        pltpu.sync_copy(rows0, acc.at[didx], add=True)
        return 0

    lax.fori_loop(0, NCHUNK, chunk, 0)
    plsc.subcore_barrier()
    pltpu.sync_copy(acc.at[pl.ds(s * RPT, RPT)], out_hbm.at[c, pl.ds(s * RPT, RPT)])


_edge_call = functools.partial(
    pl.kernel,
    out_type=jax.ShapeDtypeStruct((NC, N_ACC, H), jnp.float32),
    mesh=_MESH,
    scratch_types=[
        pltpu.VMEM((K,), jnp.int32),
        pltpu.VMEM((K,), jnp.int32),
        pltpu.VMEM((K, H), jnp.float32),
        pltpu.VMEM_SHARED((N_ACC, H), jnp.float32),
        pltpu.SemaphoreType.DMA,
    ],
)(_edge_body)



def _dinv_col(dp_ref):
    i = pl.program_id(0)
    dp = dp_ref[:, pl.ds(i * RB, RB)]
    ones = jnp.ones((NW, 1), jnp.float32)
    deg = lax.dot_general(dp, ones, (((0,), (0,)), ((), ())),
                          preferred_element_type=jnp.float32) + 1.0
    return lax.rsqrt(deg)


def _scale_mm_body(x_ref, w_ref, dp_ref, y_ref):
    dinv = _dinv_col(dp_ref)
    xw = jnp.dot(x_ref[...], w_ref[...], preferred_element_type=jnp.float32)
    y_ref[...] = xw * dinv


def _mid_body(p_ref, y1_ref, dp_ref, b1_ref, w2_ref, y2_ref):
    dinv = _dinv_col(dp_ref)
    ssum = p_ref[0] + p_ref[1] + y1_ref[...]
    h1 = jnp.maximum(dinv * ssum + b1_ref[...], 0.0)
    y2_ref[...] = jnp.dot(h1, w2_ref[...], preferred_element_type=jnp.float32) * dinv


def _final_body(p_ref, y2_ref, dp_ref, b2_ref, bf_ref, wl_ref, bl_ref,
                out_ref, ps_ref, cnt_ref):
    i = pl.program_id(0)

    @pl.when(i == 0)
    def _():
        ps_ref[...] = jnp.zeros((G, H), jnp.float32)
        cnt_ref[...] = jnp.zeros((G, H), jnp.float32)

    dinv = _dinv_col(dp_ref)
    h2 = jnp.maximum(dinv * (p_ref[0] + p_ref[1] + y2_ref[...]) + b2_ref[...], 0.0)
    gids = lax.broadcasted_iota(jnp.int32, (RB, G), 1)
    ridx = lax.broadcasted_iota(jnp.int32, (RB, G), 0) + i * RB
    onehot = ((bf_ref[...] == gids) & (ridx < N)).astype(jnp.float32)
    tdot = lambda a, b: lax.dot_general(a, b, (((0,), (0,)), ((), ())),
                                        preferred_element_type=jnp.float32)
    ps_ref[...] += tdot(onehot, h2)
    cnt_ref[...] += tdot(onehot, jnp.ones((RB, H), jnp.float32))

    @pl.when(i == NG - 1)
    def _():
        pooled = ps_ref[...] / jnp.maximum(cnt_ref[...], 1.0)
        out_ref[...] = jnp.dot(pooled, wl_ref[...],
                               preferred_element_type=jnp.float32) + bl_ref[...]


_scale_mm = pl.pallas_call(
    _scale_mm_body,
    grid=(NG,),
    in_specs=[
        pl.BlockSpec((RB, D), lambda i: (i, 0)),
        pl.BlockSpec((D, H), lambda i: (0, 0)),
        pl.BlockSpec((NW, N_PAD), lambda i: (0, 0)),
    ],
    out_specs=pl.BlockSpec((RB, H), lambda i: (i, 0)),
    out_shape=jax.ShapeDtypeStruct((N, H), jnp.float32),
)

_mid = pl.pallas_call(
    _mid_body,
    grid=(NG,),
    in_specs=[
        pl.BlockSpec((NC, RB, H), lambda i: (0, i, 0)),
        pl.BlockSpec((RB, H), lambda i: (i, 0)),
        pl.BlockSpec((NW, N_PAD), lambda i: (0, 0)),
        pl.BlockSpec((1, H), lambda i: (0, 0)),
        pl.BlockSpec((H, H), lambda i: (0, 0)),
    ],
    out_specs=pl.BlockSpec((RB, H), lambda i: (i, 0)),
    out_shape=jax.ShapeDtypeStruct((N, H), jnp.float32),
)

_final = pl.pallas_call(
    _final_body,
    grid=(NG,),
    in_specs=[
        pl.BlockSpec((NC, RB, H), lambda i: (0, i, 0)),
        pl.BlockSpec((RB, H), lambda i: (i, 0)),
        pl.BlockSpec((NW, N_PAD), lambda i: (0, 0)),
        pl.BlockSpec((1, H), lambda i: (0, 0)),
        pl.BlockSpec((RB, 1), lambda i: (i, 0)),
        pl.BlockSpec((H, H), lambda i: (0, 0)),
        pl.BlockSpec((1, H), lambda i: (0, 0)),
    ],
    out_specs=pl.BlockSpec((G, H), lambda i: (0, 0)),
    out_shape=jax.ShapeDtypeStruct((G, H), jnp.float32),
    scratch_shapes=[
        pltpu.VMEM((G, H), jnp.float32),
        pltpu.VMEM((G, H), jnp.float32),
    ],
)


def kernel(x, edge_index, batch, W1, b1, W2, b2, Wl, bl):
    src = edge_index[0].astype(jnp.int32)
    dst = edge_index[1].astype(jnp.int32)
    srcw = jnp.pad(src.reshape(NW, EPW), ((0, 0), (0, EPWP - EPW)))
    pad_dst = N + (jnp.arange(EPWP - EPW, dtype=jnp.int32) % (N_ACC - N))
    dstw = jnp.concatenate(
        [dst.reshape(NW, EPW),
         jnp.broadcast_to(pad_dst, (NW, EPWP - EPW))], axis=1)
    src1d = srcw.reshape(NW * EPWP)
    dst1d = dstw.reshape(NW * EPWP)
    batch_col = batch.astype(jnp.int32).reshape(N, 1)
    b1r = b1.reshape(1, H)
    b2r = b2.reshape(1, H)
    wl_pad = jnp.zeros((H, H), jnp.float32).at[:, :C].set(Wl)
    bl_pad = jnp.zeros((1, H), jnp.float32).at[:, :C].set(bl)

    deg_parts = _deg_call(dst).reshape(NW, N_PAD)
    y1 = _scale_mm(x, W1, deg_parts)
    p1 = _edge_call(y1, src1d, dst1d)
    y2 = _mid(p1, y1, deg_parts, b1r, W2)
    p2 = _edge_call(y2, src1d, dst1d)
    out = _final(p2, y2, deg_parts, b2r, batch_col, wl_pad, bl_pad)
    return out[:, :C]

# --- scband reference (transcript-rebuilt; emitter-appended) ---
"""Pipeline reference for scband-gcn-classification-64682207478111 (READ-ONLY COPY).

The authoritative reference and input builder live on the scoring server;
editing this copy changes nothing except your own understanding.
"""

import jax, jax.numpy as jnp
import numpy as np

N = 10000
E = 320000
D = 128
H = 128
C = 2
G = 64


def setup_inputs(seed: int = 0) -> dict:
    key = jax.random.key(seed)
    ks = jax.random.split(key, 10)
    x = jax.random.normal(ks[0], (N, D), dtype=jnp.float32)
    edge_index = jax.random.randint(ks[1], (2, E), 0, N, dtype=jnp.int64)
    batch = jnp.sort(jax.random.randint(ks[2], (N,), 0, G, dtype=jnp.int64))
    s1 = 1.0 / np.sqrt(D)
    s2 = 1.0 / np.sqrt(H)
    W1 = jax.random.normal(ks[3], (D, H), dtype=jnp.float32) * s1
    b1 = jnp.zeros((H,), dtype=jnp.float32)
    W2 = jax.random.normal(ks[4], (H, H), dtype=jnp.float32) * s2
    b2 = jnp.zeros((H,), dtype=jnp.float32)
    Wl = jax.random.normal(ks[5], (H, C), dtype=jnp.float32) * s2
    bl = jnp.zeros((C,), dtype=jnp.float32)
    return {"x": x, "edge_index": edge_index, "batch": batch,
            "W1": W1, "b1": b1, "W2": W2, "b2": b2, "Wl": Wl, "bl": bl}


def _gcn_conv(x, src, dst, W, b):
    # PyG GCNConv: add self-loops, sym-normalize, x' = D^-1/2 (A+I) D^-1/2 (x W) + b
    xw = x @ W
    deg = jnp.zeros((N,), dtype=jnp.float32).at[dst].add(1.0)
    dinv = jnp.where(deg > 0, deg ** -0.5, 0.0)
    norm = dinv[src] * dinv[dst]
    msg = xw[src] * norm[:, None]
    out = jnp.zeros((N, W.shape[1]), dtype=jnp.float32).at[dst].add(msg)
    return out + b


def reference(x, edge_index, batch, W1, b1, W2, b2, Wl, bl):
    loop = jnp.arange(N, dtype=edge_index.dtype)
    src = jnp.concatenate([edge_index[0], loop])
    dst = jnp.concatenate([edge_index[1], loop])
    h = jax.nn.relu(_gcn_conv(x, src, dst, W1, b1))
    h = jax.nn.relu(_gcn_conv(h, src, dst, W2, b2))
    # global_mean_pool over graphs
    summed = jnp.zeros((G, h.shape[1]), dtype=jnp.float32).at[batch].add(h)
    counts = jnp.zeros((G,), dtype=jnp.float32).at[batch].add(1.0)
    pooled = summed / jnp.maximum(counts, 1.0)[:, None]
    # dropout is identity in eval mode
    return pooled @ Wl + bl

if __name__ == "__main__":
    import jax
    _d = setup_inputs()
    print(jax.jit(kernel)(*tuple(_d.values())))

</pallas_src>

<mosaic_0001>
#map = affine_map<(d0, d1) -> (0, 0)>
#map1 = affine_map<(d0, d1) -> (0)>
#map2 = affine_map<(d0, d1) -> (0, 0, 0)>
module attributes {stable_mosaic.version = 14 : i64} {
  func.func @_edge_body(%arg0: i32, %arg1: i32, %arg2: memref<10000x128xf32, #tpu.memory_space<hbm>>, %arg3: memref<320000xi32, #tpu.memory_space<hbm>>, %arg4: memref<320000xi32, #tpu.memory_space<hbm>>, %arg5: memref<2x10240x128xf32, #tpu.memory_space<hbm>>, %arg6: memref<80xi32, #tpu.memory_space<vmem>>, %arg7: memref<80xi32, #tpu.memory_space<vmem>>, %arg8: memref<80x128xf32, #tpu.memory_space<vmem>>, %arg9: memref<10240x128xf32, #tpu.memory_space<vmem_shared>>, %arg10: memref<!tpu.dma_semaphore, #tpu.memory_space<semaphore_mem>>) attributes {dimension_semantics = [#tpu.dimension_semantics<core_parallel>, #tpu.dimension_semantics<subcore_parallel>], iteration_bounds = array<i64: 2, 16>, scalar_prefetch = 0 : i64, scratch_operands = 5 : i64, tpu.core_type = #tpu.core_type<sc_vector_subcore>, window_params = [{transform_indices = #map}, {transform_indices = #map1}, {transform_indices = #map1}, {transform_indices = #map2}]} {
    %mul3A = arith.constant 16 : i32
    %mul3A_0 = arith.muli %arg0, %mul3A : i32
    %add3A = arith.addi %mul3A_0, %arg1 : i32
    %broadcast_in_dim3A = arith.constant 0.000000e+00 : f32
    %broadcast_in_dim3A_1 = vector.broadcast %broadcast_in_dim3A : f32 to vector<16xf32>
    %scan3A = arith.constant 0 : i32
    %scan3A_2 = arith.constant 0 : i32
    %scan3A_3 = arith.constant 80 : i32
    %scan3A_4 = arith.addi %scan3A_2, %scan3A_3 : i32
    %scan3A_5 = arith.constant 1 : i32
    %scan3A_6 = scf.for %scan3A_60 = %scan3A_2 to %scan3A_4 step %scan3A_5 iter_args(%scan3A_61 = %scan3A) -> (i32)  : i32 {
      %swap3A = arith.index_cast %scan3A_60 : i32 to index
      %swap3A_62 = arith.constant 0 : index
      %swap3A_63 = tpu.vector_load %arg8[%swap3A, %swap3A_62] {strides = array<i32>} : memref<80x128xf32, #tpu.memory_space<vmem>>, vector<1x16xf32>,
      %swap3A_64 = vector.shape_cast %swap3A_63 : vector<1x16xf32> to vector<16xf32>
      %swap3A_65 = vector.shape_cast %broadcast_in_dim3A_1 : vector<16xf32> to vector<1x16xf32>
      tpu.vector_store %arg8[%swap3A, %swap3A_62], %swap3A_65 {strides = array<i32>} : memref<80x128xf32, #tpu.memory_space<vmem>>, vector<1x16xf32>,
      %swap3A_66 = arith.index_cast %scan3A_60 : i32 to index
      %swap3A_67 = arith.constant 16 : index
      %swap3A_68 = tpu.vector_load %arg8[%swap3A_66, %swap3A_67] {strides = array<i32>} : memref<80x128xf32, #tpu.memory_space<vmem>>, vector<1x16xf32>,
      %swap3A_69 = vector.shape_cast %swap3A_68 : vector<1x16xf32> to vector<16xf32>
      %swap3A_70 = vector.shape_cast %broadcast_in_dim3A_1 : vector<16xf32> to vector<1x16xf32>
      tpu.vector_store %arg8[%swap3A_66, %swap3A_67], %swap3A_70 {strides = array<i32>} : memref<80x128xf32, #tpu.memory_space<vmem>>, vector<1x16xf32>,
      %swap3A_71 = arith.index_cast %scan3A_60 : i32 to index
      %swap3A_72 = arith.constant 32 : index
      %swap3A_73 = tpu.vector_load %arg8[%swap3A_71, %swap3A_72] {strides = array<i32>} : memref<80x128xf32, #tpu.memory_space<vmem>>, vector<1x16xf32>,
      %swap3A_74 = vector.shape_cast %swap3A_73 : vector<1x16xf32> to vector<16xf32>
      %swap3A_75 = vector.shape_cast %broadcast_in_dim3A_1 : vector<16xf32> to vector<1x16xf32>
      tpu.vector_store %arg8[%swap3A_71, %swap3A_72], %swap3A_75 {strides = array<i32>} : memref<80x128xf32, #tpu.memory_space<vmem>>, vector<1x16xf32>,
      %swap3A_76 = arith.index_cast %scan3A_60 : i32 to index
      %swap3A_77 = arith.constant 48 : index
      %swap3A_78 = tpu.vector_load %arg8[%swap3A_76, %swap3A_77] {strides = array<i32>} : memref<80x128xf32, #tpu.memory_space<vmem>>, vector<1x16xf32>,
      %swap3A_79 = vector.shape_cast %swap3A_78 : vector<1x16xf32> to vector<16xf32>
      %swap3A_80 = vector.shape_cast %broadcast_in_dim3A_1 : vector<16xf32> to vector<1x16xf32>
      tpu.vector_store %arg8[%swap3A_76, %swap3A_77], %swap3A_80 {strides = array<i32>} : memref<80x128xf32, #tpu.memory_space<vmem>>, vector<1x16xf32>,
      %swap3A_81 = arith.index_cast %scan3A_60 : i32 to index
      %swap3A_82 = arith.constant 64 : index
      %swap3A_83 = tpu.vector_load %arg8[%swap3A_81, %swap3A_82] {strides = array<i32>} : memref<80x128xf32, #tpu.memory_space<vmem>>, vector<1x16xf32>,
      %swap3A_84 = vector.shape_cast %swap3A_83 : vector<1x16xf32> to vector<16xf32>
      %swap3A_85 = vector.shape_cast %broadcast_in_dim3A_1 : vector<16xf32> to vector<1x16xf32>
      tpu.vector_store %arg8[%swap3A_81, %swap3A_82], %swap3A_85 {strides = array<i32>} : memref<80x128xf32, #tpu.memory_space<vmem>>, vector<1x16xf32>,
      %swap3A_86 = arith.index_cast %scan3A_60 : i32 to index
      %swap3A_87 = arith.constant 80 : index
      %swap3A_88 = tpu.vector_load %arg8[%swap3A_86, %swap3A_87] {strides = array<i32>} : memref<80x128xf32, #tpu.memory_space<vmem>>, vector<1x16xf32>,
      %swap3A_89 = vector.shape_cast %swap3A_88 : vector<1x16xf32> to vector<16xf32>
      %swap3A_90 = vector.shape_cast %broadcast_in_dim3A_1 : vector<16xf32> to vector<1x16xf32>
      tpu.vector_store %arg8[%swap3A_86, %swap3A_87], %swap3A_90 {strides = array<i32>} : memref<80x128xf32, #tpu.memory_space<vmem>>, vector<1x16xf32>,
      %swap3A_91 = arith.index_cast %scan3A_60 : i32 to index
      %swap3A_92 = arith.constant 96 : index
      %swap3A_93 = tpu.vector_load %arg8[%swap3A_91, %swap3A_92] {strides = array<i32>} : memref<80x128xf32, #tpu.memory_space<vmem>>, vector<1x16xf32>,
      %swap3A_94 = vector.shape_cast %swap3A_93 : vector<1x16xf32> to vector<16xf32>
      %swap3A_95 = vector.shape_cast %broadcast_in_dim3A_1 : vector<16xf32> to vector<1x16xf32>
      tpu.vector_store %arg8[%swap3A_91, %swap3A_92], %swap3A_95 {strides = array<i32>} : memref<80x128xf32, #tpu.memory_space<vmem>>, vector<1x16xf32>,
      %swap3A_96 = arith.index_cast %scan3A_60 : i32 to index
      %swap3A_97 = arith.constant 112 : index
      %swap3A_98 = tpu.vector_load %arg8[%swap3A_96, %swap3A_97] {strides = array<i32>} : memref<80x128xf32, #tpu.memory_space<vmem>>, vector<1x16xf32>,
      %swap3A_99 = vector.shape_cast %swap3A_98 : vector<1x16xf32> to vector<16xf32>
      %swap3A_100 = vector.shape_cast %broadcast_in_dim3A_1 : vector<16xf32> to vector<1x16xf32>
      tpu.vector_store %arg8[%swap3A_96, %swap3A_97], %swap3A_100 {strides = array<i32>} : memref<80x128xf32, #tpu.memory_space<vmem>>, vector<1x16xf32>,
      %scan3A_101 = arith.constant 0 : i32
      scf.yield %scan3A_101 : i32
    }
    %scan3A_7 = arith.constant 80 : i32
    %mul3A_8 = arith.constant 640 : i32
    %mul3A_9 = arith.muli %arg1, %mul3A_8 : i32
    %add3A_10 = arith.constant 0 : i32
    %add3A_11 = arith.addi %mul3A_9, %add3A_10 : i32
    "tpu.region"() ({
      %run_scoped3A = tpu.sem_alloc : memref<!tpu.dma_semaphore, #tpu.memory_space<semaphore_mem>>
      %dma_start3A = arith.constant 0 : i32
      %dma_start3A_60 = arith.constant 0 : i32
      %dma_start3A_61 = tpu.memref_slice %arg8[%dma_start3A, %dma_start3A_60] : memref<80x128xf32, #tpu.memory_space<vmem>> -> memref<64x128xf32, #tpu.memory_space<vmem>>
      %dma_start3A_62 = arith.constant 0 : i32
      %dma_start3A_63 = tpu.memref_slice %arg9[%add3A_11, %dma_start3A_62] : memref<10240x128xf32, #tpu.memory_space<vmem_shared>> -> memref<64x128xf32, #tpu.memory_space<vmem_shared>>
      %dma_start3A_64 = arith.constant 0 : i32
      %dma_start3A_65 = tpu.memref_slice %arg9[%add3A_11, %dma_start3A_64] : memref<10240x128xf32, #tpu.memory_space<vmem_shared>> -> memref<64x128xf32, #tpu.memory_space<vmem_shared>>
      %dma_start3A_66 = arith.constant 0 : i32
      %dma_start3A_67 = arith.constant 0 : i32
      %dma_start3A_68 = tpu.memref_slice %arg8[%dma_start3A_66, %dma_start3A_67] : memref<80x128xf32, #tpu.memory_space<vmem>> -> memref<64x128xf32, #tpu.memory_space<vmem>>
      tpu.enqueue_dma source(%dma_start3A_68 : memref<64x128xf32, #tpu.memory_space<vmem>>) target(%dma_start3A_65 : memref<64x128xf32, #tpu.memory_space<vmem_shared>>) target_semaphore(%run_scoped3A : memref<!tpu.dma_semaphore, #tpu.memory_space<semaphore_mem>>)
      %dma_wait3A = arith.constant 0 : i32
      %dma_wait3A_69 = arith.constant 0 : i32
      %dma_wait3A_70 = tpu.memref_slice %arg8[%dma_wait3A, %dma_wait3A_69] : memref<80x128xf32, #tpu.memory_space<vmem>> -> memref<64x128xf32, #tpu.memory_space<vmem>>
      %dma_wait3A_71 = arith.constant 0 : i32
      %dma_wait3A_72 = tpu.memref_slice %arg9[%add3A_11, %dma_wait3A_71] : memref<10240x128xf32, #tpu.memory_space<vmem_shared>> -> memref<64x128xf32, #tpu.memory_space<vmem_shared>>
      %dma_wait3A_73 = arith.constant 0 : i32
      %dma_wait3A_74 = tpu.memref_slice %arg9[%add3A_11, %dma_wait3A_73] : memref<10240x128xf32, #tpu.memory_space<vmem_shared>> -> memref<64x128xf32, #tpu.memory_space<vmem_shared>>
      %dma_wait3A_75 = arith.constant 0 : i32
      %dma_wait3A_76 = arith.constant 0 : i32
      %dma_wait3A_77 = tpu.memref_slice %arg8[%dma_wait3A_75, %dma_wait3A_76] : memref<80x128xf32, #tpu.memory_space<vmem>> -> memref<64x128xf32, #tpu.memory_space<vmem>>
      tpu.wait_dma2 semaphore(%run_scoped3A : memref<!tpu.dma_semaphore, #tpu.memory_space<semaphore_mem>>) src(%dma_wait3A_77 : memref<64x128xf32, #tpu.memory_space<vmem>>) dst(%dma_wait3A_74 : memref<64x128xf32, #tpu.memory_space<vmem_shared>>)
      tpu.yield
    }) : () -> ()
    %mul3A_12 = arith.constant 640 : i32
    %mul3A_13 = arith.muli %arg1, %mul3A_12 : i32
    %add3A_14 = arith.constant 64 : i32
    %add3A_15 = arith.addi %mul3A_13, %add3A_14 : i32
    "tpu.region"() ({
      %run_scoped3A = tpu.sem_alloc : memref<!tpu.dma_semaphore, #tpu.memory_space<semaphore_mem>>
      %dma_start3A = arith.constant 0 : i32
      %dma_start3A_60 = arith.constant 0 : i32
      %dma_start3A_61 = tpu.memref_slice %arg8[%dma_start3A, %dma_start3A_60] : memref<80x128xf32, #tpu.memory_space<vmem>> -> memref<64x128xf32, #tpu.memory_space<vmem>>
      %dma_start3A_62 = arith.constant 0 : i32
      %dma_start3A_63 = tpu.memref_slice %arg9[%add3A_15, %dma_start3A_62] : memref<10240x128xf32, #tpu.memory_space<vmem_shared>> -> memref<64x128xf32, #tpu.memory_space<vmem_shared>>
      %dma_start3A_64 = arith.constant 0 : i32
      %dma_start3A_65 = tpu.memref_slice %arg9[%add3A_15, %dma_start3A_64] : memref<10240x128xf32, #tpu.memory_space<vmem_shared>> -> memref<64x128xf32, #tpu.memory_space<vmem_shared>>
      %dma_start3A_66 = arith.constant 0 : i32
      %dma_start3A_67 = arith.constant 0 : i32
      %dma_start3A_68 = tpu.memref_slice %arg8[%dma_start3A_66, %dma_start3A_67] : memref<80x128xf32, #tpu.memory_space<vmem>> -> memref<64x128xf32, #tpu.memory_space<vmem>>
      tpu.enqueue_dma source(%dma_start3A_68 : memref<64x128xf32, #tpu.memory_space<vmem>>) target(%dma_start3A_65 : memref<64x128xf32, #tpu.memory_space<vmem_shared>>) target_semaphore(%run_scoped3A : memref<!tpu.dma_semaphore, #tpu.memory_space<semaphore_mem>>)
      %dma_wait3A = arith.constant 0 : i32
      %dma_wait3A_69 = arith.constant 0 : i32
      %dma_wait3A_70 = tpu.memref_slice %arg8[%dma_wait3A, %dma_wait3A_69] : memref<80x128xf32, #tpu.memory_space<vmem>> -> memref<64x128xf32, #tpu.memory_space<vmem>>
      %dma_wait3A_71 = arith.constant 0 : i32
      %dma_wait3A_72 = tpu.memref_slice %arg9[%add3A_15, %dma_wait3A_71] : memref<10240x128xf32, #tpu.memory_space<vmem_shared>> -> memref<64x128xf32, #tpu.memory_space<vmem_shared>>
      %dma_wait3A_73 = arith.constant 0 : i32
      %dma_wait3A_74 = tpu.memref_slice %arg9[%add3A_15, %dma_wait3A_73] : memref<10240x128xf32, #tpu.memory_space<vmem_shared>> -> memref<64x128xf32, #tpu.memory_space<vmem_shared>>
      %dma_wait3A_75 = arith.constant 0 : i32
      %dma_wait3A_76 = arith.constant 0 : i32
      %dma_wait3A_77 = tpu.memref_slice %arg8[%dma_wait3A_75, %dma_wait3A_76] : memref<80x128xf32, #tpu.memory_space<vmem>> -> memref<64x128xf32, #tpu.memory_space<vmem>>
      tpu.wait_dma2 semaphore(%run_scoped3A : memref<!tpu.dma_semaphore, #tpu.memory_space<semaphore_mem>>) src(%dma_wait3A_77 : memref<64x128xf32, #tpu.memory_space<vmem>>) dst(%dma_wait3A_74 : memref<64x128xf32, #tpu.memory_space<vmem_shared>>)
      tpu.yield
    }) : () -> ()
    %mul3A_16 = arith.constant 640 : i32
    %mul3A_17 = arith.muli %arg1, %mul3A_16 : i32
    %add3A_18 = arith.constant 128 : i32
    %add3A_19 = arith.addi %mul3A_17, %add3A_18 : i32
    "tpu.region"() ({
      %run_scoped3A = tpu.sem_alloc : memref<!tpu.dma_semaphore, #tpu.memory_space<semaphore_mem>>
      %dma_start3A = arith.constant 0 : i32
      %dma_start3A_60 = arith.constant 0 : i32
      %dma_start3A_61 = tpu.memref_slice %arg8[%dma_start3A, %dma_start3A_60] : memref<80x128xf32, #tpu.memory_space<vmem>> -> memref<64x128xf32, #tpu.memory_space<vmem>>
      %dma_start3A_62 = arith.constant 0 : i32
      %dma_start3A_63 = tpu.memref_slice %arg9[%add3A_19, %dma_start3A_62] : memref<10240x128xf32, #tpu.memory_space<vmem_shared>> -> memref<64x128xf32, #tpu.memory_space<vmem_shared>>
      %dma_start3A_64 = arith.constant 0 : i32
      %dma_start3A_65 = tpu.memref_slice %arg9[%add3A_19, %dma_start3A_64] : memref<10240x128xf32, #tpu.memory_space<vmem_shared>> -> memref<64x128xf32, #tpu.memory_space<vmem_shared>>
      %dma_start3A_66 = arith.constant 0 : i32
      %dma_start3A_67 = arith.constant 0 : i32
      %dma_start3A_68 = tpu.memref_slice %arg8[%dma_start3A_66, %dma_start3A_67] : memref<80x128xf32, #tpu.memory_space<vmem>> -> memref<64x128xf32, #tpu.memory_space<vmem>>
      tpu.enqueue_dma source(%dma_start3A_68 : memref<64x128xf32, #tpu.memory_space<vmem>>) target(%dma_start3A_65 : memref<64x128xf32, #tpu.memory_space<vmem_shared>>) target_semaphore(%run_scoped3A : memref<!tpu.dma_semaphore, #tpu.memory_space<semaphore_mem>>)
      %dma_wait3A = arith.constant 0 : i32
      %dma_wait3A_69 = arith.constant 0 : i32
      %dma_wait3A_70 = tpu.memref_slice %arg8[%dma_wait3A, %dma_wait3A_69] : memref<80x128xf32, #tpu.memory_space<vmem>> -> memref<64x128xf32, #tpu.memory_space<vmem>>
      %dma_wait3A_71 = arith.constant 0 : i32
      %dma_wait3A_72 = tpu.memref_slice %arg9[%add3A_19, %dma_wait3A_71] : memref<10240x128xf32, #tpu.memory_space<vmem_shared>> -> memref<64x128xf32, #tpu.memory_space<vmem_shared>>
      %dma_wait3A_73 = arith.constant 0 : i32
      %dma_wait3A_74 = tpu.memref_slice %arg9[%add3A_19, %dma_wait3A_73] : memref<10240x128xf32, #tpu.memory_space<vmem_shared>> -> memref<64x128xf32, #tpu.memory_space<vmem_shared>>
      %dma_wait3A_75 = arith.constant 0 : i32
      %dma_wait3A_76 = arith.constant 0 : i32
      %dma_wait3A_77 = tpu.memref_slice %arg8[%dma_wait3A_75, %dma_wait3A_76] : memref<80x128xf32, #tpu.memory_space<vmem>> -> memref<64x128xf32, #tpu.memory_space<vmem>>
      tpu.wait_dma2 semaphore(%run_scoped3A : memref<!tpu.dma_semaphore, #tpu.memory_space<semaphore_mem>>) src(%dma_wait3A_77 : memref<64x128xf32, #tpu.memory_space<vmem>>) dst(%dma_wait3A_74 : memref<64x128xf32, #tpu.memory_space<vmem_shared>>)
      tpu.yield
    }) : () -> ()
    %mul3A_20 = arith.constant 640 : i32
    %mul3A_21 = arith.muli %arg1, %mul3A_20 : i32
    %add3A_22 = arith.constant 192 : i32
    %add3A_23 = arith.addi %mul3A_21, %add3A_22 : i32
    "tpu.region"() ({
      %run_scoped3A = tpu.sem_alloc : memref<!tpu.dma_semaphore, #tpu.memory_space<semaphore_mem>>
      %dma_start3A = arith.constant 0 : i32
      %dma_start3A_60 = arith.constant 0 : i32
      %dma_start3A_61 = tpu.memref_slice %arg8[%dma_start3A, %dma_start3A_60] : memref<80x128xf32, #tpu.memory_space<vmem>> -> memref<64x128xf32, #tpu.memory_space<vmem>>
      %dma_start3A_62 = arith.constant 0 : i32
      %dma_start3A_63 = tpu.memref_slice %arg9[%add3A_23, %dma_start3A_62] : memref<10240x128xf32, #tpu.memory_space<vmem_shared>> -> memref<64x128xf32, #tpu.memory_space<vmem_shared>>
      %dma_start3A_64 = arith.constant 0 : i32
      %dma_start3A_65 = tpu.memref_slice %arg9[%add3A_23, %dma_start3A_64] : memref<10240x128xf32, #tpu.memory_space<vmem_shared>> -> memref<64x128xf32, #tpu.memory_space<vmem_shared>>
      %dma_start3A_66 = arith.constant 0 : i32
      %dma_start3A_67 = arith.constant 0 : i32
      %dma_start3A_68 = tpu.memref_slice %arg8[%dma_start3A_66, %dma_start3A_67] : memref<80x128xf32, #tpu.memory_space<vmem>> -> memref<64x128xf32, #tpu.memory_space<vmem>>
      tpu.enqueue_dma source(%dma_start3A_68 : memref<64x128xf32, #tpu.memory_space<vmem>>) target(%dma_start3A_65 : memref<64x128xf32, #tpu.memory_space<vmem_shared>>) target_semaphore(%run_scoped3A : memref<!tpu.dma_semaphore, #tpu.memory_space<semaphore_mem>>)
      %dma_wait3A = arith.constant 0 : i32
      %dma_wait3A_69 = arith.constant 0 : i32
      %dma_wait3A_70 = tpu.memref_slice %arg8[%dma_wait3A, %dma_wait3A_69] : memref<80x128xf32, #tpu.memory_space<vmem>> -> memref<64x128xf32, #tpu.memory_space<vmem>>
      %dma_wait3A_71 = arith.constant 0 : i32
      %dma_wait3A_72 = tpu.memref_slice %arg9[%add3A_23, %dma_wait3A_71] : memref<10240x128xf32, #tpu.memory_space<vmem_shared>> -> memref<64x128xf32, #tpu.memory_space<vmem_shared>>
      %dma_wait3A_73 = arith.constant 0 : i32
      %dma_wait3A_74 = tpu.memref_slice %arg9[%add3A_23, %dma_wait3A_73] : memref<10240x128xf32, #tpu.memory_space<vmem_shared>> -> memref<64x128xf32, #tpu.memory_space<vmem_shared>>
      %dma_wait3A_75 = arith.constant 0 : i32
      %dma_wait3A_76 = arith.constant 0 : i32
      %dma_wait3A_77 = tpu.memref_slice %arg8[%dma_wait3A_75, %dma_wait3A_76] : memref<80x128xf32, #tpu.memory_space<vmem>> -> memref<64x128xf32, #tpu.memory_space<vmem>>
      tpu.wait_dma2 semaphore(%run_scoped3A : memref<!tpu.dma_semaphore, #tpu.memory_space<semaphore_mem>>) src(%dma_wait3A_77 : memref<64x128xf32, #tpu.memory_space<vmem>>) dst(%dma_wait3A_74 : memref<64x128xf32, #tpu.memory_space<vmem_shared>>)
      tpu.yield
    }) : () -> ()
    %mul3A_24 = arith.constant 640 : i32
    %mul3A_25 = arith.muli %arg1, %mul3A_24 : i32
    %add3A_26 = arith.constant 256 : i32
    %add3A_27 = arith.addi %mul3A_25, %add3A_26 : i32
    "tpu.region"() ({
      %run_scoped3A = tpu.sem_alloc : memref<!tpu.dma_semaphore, #tpu.memory_space<semaphore_mem>>
      %dma_start3A = arith.constant 0 : i32
      %dma_start3A_60 = arith.constant 0 : i32
      %dma_start3A_61 = tpu.memref_slice %arg8[%dma_start3A, %dma_start3A_60] : memref<80x128xf32, #tpu.memory_space<vmem>> -> memref<64x128xf32, #tpu.memory_space<vmem>>
      %dma_start3A_62 = arith.constant 0 : i32
      %dma_start3A_63 = tpu.memref_slice %arg9[%add3A_27, %dma_start3A_62] : memref<10240x128xf32, #tpu.memory_space<vmem_shared>> -> memref<64x128xf32, #tpu.memory_space<vmem_shared>>
      %dma_start3A_64 = arith.constant 0 : i32
      %dma_start3A_65 = tpu.memref_slice %arg9[%add3A_27, %dma_start3A_64] : memref<10240x128xf32, #tpu.memory_space<vmem_shared>> -> memref<64x128xf32, #tpu.memory_space<vmem_shared>>
      %dma_start3A_66 = arith.constant 0 : i32
      %dma_start3A_67 = arith.constant 0 : i32
      %dma_start3A_68 = tpu.memref_slice %arg8[%dma_start3A_66, %dma_start3A_67] : memref<80x128xf32, #tpu.memory_space<vmem>> -> memref<64x128xf32, #tpu.memory_space<vmem>>
      tpu.enqueue_dma source(%dma_start3A_68 : memref<64x128xf32, #tpu.memory_space<vmem>>) target(%dma_start3A_65 : memref<64x128xf32, #tpu.memory_space<vmem_shared>>) target_semaphore(%run_scoped3A : memref<!tpu.dma_semaphore, #tpu.memory_space<semaphore_mem>>)
      %dma_wait3A = arith.constant 0 : i32
      %dma_wait3A_69 = arith.constant 0 : i32
      %dma_wait3A_70 = tpu.memref_slice %arg8[%dma_wait3A, %dma_wait3A_69] : memref<80x128xf32, #tpu.memory_space<vmem>> -> memref<64x128xf32, #tpu.memory_space<vmem>>
      %dma_wait3A_71 = arith.constant 0 : i32
      %dma_wait3A_72 = tpu.memref_slice %arg9[%add3A_27, %dma_wait3A_71] : memref<10240x128xf32, #tpu.memory_space<vmem_shared>> -> memref<64x128xf32, #tpu.memory_space<vmem_shared>>
      %dma_wait3A_73 = arith.constant 0 : i32
      %dma_wait3A_74 = tpu.memref_slice %arg9[%add3A_27, %dma_wait3A_73] : memref<10240x128xf32, #tpu.memory_space<vmem_shared>> -> memref<64x128xf32, #tpu.memory_space<vmem_shared>>
      %dma_wait3A_75 = arith.constant 0 : i32
      %dma_wait3A_76 = arith.constant 0 : i32
      %dma_wait3A_77 = tpu.memref_slice %arg8[%dma_wait3A_75, %dma_wait3A_76] : memref<80x128xf32, #tpu.memory_space<vmem>> -> memref<64x128xf32, #tpu.memory_space<vmem>>
      tpu.wait_dma2 semaphore(%run_scoped3A : memref<!tpu.dma_semaphore, #tpu.memory_space<semaphore_mem>>) src(%dma_wait3A_77 : memref<64x128xf32, #tpu.memory_space<vmem>>) dst(%dma_wait3A_74 : memref<64x128xf32, #tpu.memory_space<vmem_shared>>)
      tpu.yield
    }) : () -> ()
    %mul3A_28 = arith.constant 640 : i32
    %mul3A_29 = arith.muli %arg1, %mul3A_28 : i32
    %add3A_30 = arith.constant 320 : i32
    %add3A_31 = arith.addi %mul3A_29, %add3A_30 : i32
    "tpu.region"() ({
      %run_scoped3A = tpu.sem_alloc : memref<!tpu.dma_semaphore, #tpu.memory_space<semaphore_mem>>
      %dma_start3A = arith.constant 0 : i32
      %dma_start3A_60 = arith.constant 0 : i32
      %dma_start3A_61 = tpu.memref_slice %arg8[%dma_start3A, %dma_start3A_60] : memref<80x128xf32, #tpu.memory_space<vmem>> -> memref<64x128xf32, #tpu.memory_space<vmem>>
      %dma_start3A_62 = arith.constant 0 : i32
      %dma_start3A_63 = tpu.memref_slice %arg9[%add3A_31, %dma_start3A_62] : memref<10240x128xf32, #tpu.memory_space<vmem_shared>> -> memref<64x128xf32, #tpu.memory_space<vmem_shared>>
      %dma_start3A_64 = arith.constant 0 : i32
      %dma_start3A_65 = tpu.memref_slice %arg9[%add3A_31, %dma_start3A_64] : memref<10240x128xf32, #tpu.memory_space<vmem_shared>> -> memref<64x128xf32, #tpu.memory_space<vmem_shared>>
      %dma_start3A_66 = arith.constant 0 : i32
      %dma_start3A_67 = arith.constant 0 : i32
      %dma_start3A_68 = tpu.memref_slice %arg8[%dma_start3A_66, %dma_start3A_67] : memref<80x128xf32, #tpu.memory_space<vmem>> -> memref<64x128xf32, #tpu.memory_space<vmem>>
      tpu.enqueue_dma source(%dma_start3A_68 : memref<64x128xf32, #tpu.memory_space<vmem>>) target(%dma_start3A_65 : memref<64x128xf32, #tpu.memory_space<vmem_shared>>) target_semaphore(%run_scoped3A : memref<!tpu.dma_semaphore, #tpu.memory_space<semaphore_mem>>)
      %dma_wait3A = arith.constant 0 : i32
      %dma_wait3A_69 = arith.constant 0 : i32
      %dma_wait3A_70 = tpu.memref_slice %arg8[%dma_wait3A, %dma_wait3A_69] : memref<80x128xf32, #tpu.memory_space<vmem>> -> memref<64x128xf32, #tpu.memory_space<vmem>>
      %dma_wait3A_71 = arith.constant 0 : i32
      %dma_wait3A_72 = tpu.memref_slice %arg9[%add3A_31, %dma_wait3A_71] : memref<10240x128xf32, #tpu.memory_space<vmem_shared>> -> memref<64x128xf32, #tpu.memory_space<vmem_shared>>
      %dma_wait3A_73 = arith.constant 0 : i32
      %dma_wait3A_74 = tpu.memref_slice %arg9[%add3A_31, %dma_wait3A_73] : memref<10240x128xf32, #tpu.memory_space<vmem_shared>> -> memref<64x128xf32, #tpu.memory_space<vmem_shared>>
      %dma_wait3A_75 = arith.constant 0 : i32
      %dma_wait3A_76 = arith.constant 0 : i32
      %dma_wait3A_77 = tpu.memref_slice %arg8[%dma_wait3A_75, %dma_wait3A_76] : memref<80x128xf32, #tpu.memory_space<vmem>> -> memref<64x128xf32, #tpu.memory_space<vmem>>
      tpu.wait_dma2 semaphore(%run_scoped3A : memref<!tpu.dma_semaphore, #tpu.memory_space<semaphore_mem>>) src(%dma_wait3A_77 : memref<64x128xf32, #tpu.memory_space<vmem>>) dst(%dma_wait3A_74 : memref<64x128xf32, #tpu.memory_space<vmem_shared>>)
      tpu.yield
    }) : () -> ()
    %mul3A_32 = arith.constant 640 : i32
    %mul3A_33 = arith.muli %arg1, %mul3A_32 : i32
    %add3A_34 = arith.constant 384 : i32
    %add3A_35 = arith.addi %mul3A_33, %add3A_34 : i32
    "tpu.region"() ({
      %run_scoped3A = tpu.sem_alloc : memref<!tpu.dma_semaphore, #tpu.memory_space<semaphore_mem>>
      %dma_start3A = arith.constant 0 : i32
      %dma_start3A_60 = arith.constant 0 : i32
      %dma_start3A_61 = tpu.memref_slice %arg8[%dma_start3A, %dma_start3A_60] : memref<80x128xf32, #tpu.memory_space<vmem>> -> memref<64x128xf32, #tpu.memory_space<vmem>>
      %dma_start3A_62 = arith.constant 0 : i32
      %dma_start3A_63 = tpu.memref_slice %arg9[%add3A_35, %dma_start3A_62] : memref<10240x128xf32, #tpu.memory_space<vmem_shared>> -> memref<64x128xf32, #tpu.memory_space<vmem_shared>>
      %dma_start3A_64 = arith.constant 0 : i32
      %dma_start3A_65 = tpu.memref_slice %arg9[%add3A_35, %dma_start3A_64] : memref<10240x128xf32, #tpu.memory_space<vmem_shared>> -> memref<64x128xf32, #tpu.memory_space<vmem_shared>>
      %dma_start3A_66 = arith.constant 0 : i32
      %dma_start3A_67 = arith.constant 0 : i32
      %dma_start3A_68 = tpu.memref_slice %arg8[%dma_start3A_66, %dma_start3A_67] : memref<80x128xf32, #tpu.memory_space<vmem>> -> memref<64x128xf32, #tpu.memory_space<vmem>>
      tpu.enqueue_dma source(%dma_start3A_68 : memref<64x128xf32, #tpu.memory_space<vmem>>) target(%dma_start3A_65 : memref<64x128xf32, #tpu.memory_space<vmem_shared>>) target_semaphore(%run_scoped3A : memref<!tpu.dma_semaphore, #tpu.memory_space<semaphore_mem>>)
      %dma_wait3A = arith.constant 0 : i32
      %dma_wait3A_69 = arith.constant 0 : i32
      %dma_wait3A_70 = tpu.memref_slice %arg8[%dma_wait3A, %dma_wait3A_69] : memref<80x128xf32, #tpu.memory_space<vmem>> -> memref<64x128xf32, #tpu.memory_space<vmem>>
      %dma_wait3A_71 = arith.constant 0 : i32
      %dma_wait3A_72 = tpu.memref_slice %arg9[%add3A_35, %dma_wait3A_71] : memref<10240x128xf32, #tpu.memory_space<vmem_shared>> -> memref<64x128xf32, #tpu.memory_space<vmem_shared>>
      %dma_wait3A_73 = arith.constant 0 : i32
      %dma_wait3A_74 = tpu.memref_slice %arg9[%add3A_35, %dma_wait3A_73] : memref<10240x128xf32, #tpu.memory_space<vmem_shared>> -> memref<64x128xf32, #tpu.memory_space<vmem_shared>>
      %dma_wait3A_75 = arith.constant 0 : i32
      %dma_wait3A_76 = arith.constant 0 : i32
      %dma_wait3A_77 = tpu.memref_slice %arg8[%dma_wait3A_75, %dma_wait3A_76] : memref<80x128xf32, #tpu.memory_space<vmem>> -> memref<64x128xf32, #tpu.memory_space<vmem>>
      tpu.wait_dma2 semaphore(%run_scoped3A : memref<!tpu.dma_semaphore, #tpu.memory_space<semaphore_mem>>) src(%dma_wait3A_77 : memref<64x128xf32, #tpu.memory_space<vmem>>) dst(%dma_wait3A_74 : memref<64x128xf32, #tpu.memory_space<vmem_shared>>)
      tpu.yield
    }) : () -> ()
    %mul3A_36 = arith.constant 640 : i32
    %mul3A_37 = arith.muli %arg1, %mul3A_36 : i32
    %add3A_38 = arith.constant 448 : i32
    %add3A_39 = arith.addi %mul3A_37, %add3A_38 : i32
    "tpu.region"() ({
      %run_scoped3A = tpu.sem_alloc : memref<!tpu.dma_semaphore, #tpu.memory_space<semaphore_mem>>
      %dma_start3A = arith.constant 0 : i32
      %dma_start3A_60 = arith.constant 0 : i32
      %dma_start3A_61 = tpu.memref_slice %arg8[%dma_start3A, %dma_start3A_60] : memref<80x128xf32, #tpu.memory_space<vmem>> -> memref<64x128xf32, #tpu.memory_space<vmem>>
      %dma_start3A_62 = arith.constant 0 : i32
      %dma_start3A_63 = tpu.memref_slice %arg9[%add3A_39, %dma_start3A_62] : memref<10240x128xf32, #tpu.memory_space<vmem_shared>> -> memref<64x128xf32, #tpu.memory_space<vmem_shared>>
      %dma_start3A_64 = arith.constant 0 : i32
      %dma_start3A_65 = tpu.memref_slice %arg9[%add3A_39, %dma_start3A_64] : memref<10240x128xf32, #tpu.memory_space<vmem_shared>> -> memref<64x128xf32, #tpu.memory_space<vmem_shared>>
      %dma_start3A_66 = arith.constant 0 : i32
      %dma_start3A_67 = arith.constant 0 : i32
      %dma_start3A_68 = tpu.memref_slice %arg8[%dma_start3A_66, %dma_start3A_67] : memref<80x128xf32, #tpu.memory_space<vmem>> -> memref<64x128xf32, #tpu.memory_space<vmem>>
      tpu.enqueue_dma source(%dma_start3A_68 : memref<64x128xf32, #tpu.memory_space<vmem>>) target(%dma_start3A_65 : memref<64x128xf32, #tpu.memory_space<vmem_shared>>) target_semaphore(%run_scoped3A : memref<!tpu.dma_semaphore, #tpu.memory_space<semaphore_mem>>)
      %dma_wait3A = arith.constant 0 : i32
      %dma_wait3A_69 = arith.constant 0 : i32
      %dma_wait3A_70 = tpu.memref_slice %arg8[%dma_wait3A, %dma_wait3A_69] : memref<80x128xf32, #tpu.memory_space<vmem>> -> memref<64x128xf32, #tpu.memory_space<vmem>>
      %dma_wait3A_71 = arith.constant 0 : i32
      %dma_wait3A_72 = tpu.memref_slice %arg9[%add3A_39, %dma_wait3A_71] : memref<10240x128xf32, #tpu.memory_space<vmem_shared>> -> memref<64x128xf32, #tpu.memory_space<vmem_shared>>
      %dma_wait3A_73 = arith.constant 0 : i32
      %dma_wait3A_74 = tpu.memref_slice %arg9[%add3A_39, %dma_wait3A_73] : memref<10240x128xf32, #tpu.memory_space<vmem_shared>> -> memref<64x128xf32, #tpu.memory_space<vmem_shared>>
      %dma_wait3A_75 = arith.constant 0 : i32
      %dma_wait3A_76 = arith.constant 0 : i32
      %dma_wait3A_77 = tpu.memref_slice %arg8[%dma_wait3A_75, %dma_wait3A_76] : memref<80x128xf32, #tpu.memory_space<vmem>> -> memref<64x128xf32, #tpu.memory_space<vmem>>
      tpu.wait_dma2 semaphore(%run_scoped3A : memref<!tpu.dma_semaphore, #tpu.memory_space<semaphore_mem>>) src(%dma_wait3A_77 : memref<64x128xf32, #tpu.memory_space<vmem>>) dst(%dma_wait3A_74 : memref<64x128xf32, #tpu.memory_space<vmem_shared>>)
      tpu.yield
    }) : () -> ()
    %mul3A_40 = arith.constant 640 : i32
    %mul3A_41 = arith.muli %arg1, %mul3A_40 : i32
    %add3A_42 = arith.constant 512 : i32
    %add3A_43 = arith.addi %mul3A_41, %add3A_42 : i32
    "tpu.region"() ({
      %run_scoped3A = tpu.sem_alloc : memref<!tpu.dma_semaphore, #tpu.memory_space<semaphore_mem>>
      %dma_start3A = arith.constant 0 : i32
      %dma_start3A_60 = arith.constant 0 : i32
      %dma_start3A_61 = tpu.memref_slice %arg8[%dma_start3A, %dma_start3A_60] : memref<80x128xf32, #tpu.memory_space<vmem>> -> memref<64x128xf32, #tpu.memory_space<vmem>>
      %dma_start3A_62 = arith.constant 0 : i32
      %dma_start3A_63 = tpu.memref_slice %arg9[%add3A_43, %dma_start3A_62] : memref<10240x128xf32, #tpu.memory_space<vmem_shared>> -> memref<64x128xf32, #tpu.memory_space<vmem_shared>>
      %dma_start3A_64 = arith.constant 0 : i32
      %dma_start3A_65 = tpu.memref_slice %arg9[%add3A_43, %dma_start3A_64] : memref<10240x128xf32, #tpu.memory_space<vmem_shared>> -> memref<64x128xf32, #tpu.memory_space<vmem_shared>>
      %dma_start3A_66 = arith.constant 0 : i32
      %dma_start3A_67 = arith.constant 0 : i32
      %dma_start3A_68 = tpu.memref_slice %arg8[%dma_start3A_66, %dma_start3A_67] : memref<80x128xf32, #tpu.memory_space<vmem>> -> memref<64x128xf32, #tpu.memory_space<vmem>>
      tpu.enqueue_dma source(%dma_start3A_68 : memref<64x128xf32, #tpu.memory_space<vmem>>) target(%dma_start3A_65 : memref<64x128xf32, #tpu.memory_space<vmem_shared>>) target_semaphore(%run_scoped3A : memref<!tpu.dma_semaphore, #tpu.memory_space<semaphore_mem>>)
      %dma_wait3A = arith.constant 0 : i32
      %dma_wait3A_69 = arith.constant 0 : i32
      %dma_wait3A_70 = tpu.memref_slice %arg8[%dma_wait3A, %dma_wait3A_69] : memref<80x128xf32, #tpu.memory_space<vmem>> -> memref<64x128xf32, #tpu.memory_space<vmem>>
      %dma_wait3A_71 = arith.constant 0 : i32
      %dma_wait3A_72 = tpu.memref_slice %arg9[%add3A_43, %dma_wait3A_71] : memref<10240x128xf32, #tpu.memory_space<vmem_shared>> -> memref<64x128xf32, #tpu.memory_space<vmem_shared>>
      %dma_wait3A_73 = arith.constant 0 : i32
      %dma_wait3A_74 = tpu.memref_slice %arg9[%add3A_43, %dma_wait3A_73] : memref<10240x128xf32, #tpu.memory_space<vmem_shared>> -> memref<64x128xf32, #tpu.memory_space<vmem_shared>>
      %dma_wait3A_75 = arith.constant 0 : i32
      %dma_wait3A_76 = arith.constant 0 : i32
      %dma_wait3A_77 = tpu.memref_slice %arg8[%dma_wait3A_75, %dma_wait3A_76] : memref<80x128xf32, #tpu.memory_space<vmem>> -> memref<64x128xf32, #tpu.memory_space<vmem>>
      tpu.wait_dma2 semaphore(%run_scoped3A : memref<!tpu.dma_semaphore, #tpu.memory_space<semaphore_mem>>) src(%dma_wait3A_77 : memref<64x128xf32, #tpu.memory_space<vmem>>) dst(%dma_wait3A_74 : memref<64x128xf32, #tpu.memory_space<vmem_shared>>)
      tpu.yield
    }) : () -> ()
    %mul3A_44 = arith.constant 640 : i32
    %mul3A_45 = arith.muli %arg1, %mul3A_44 : i32
    %add3A_46 = arith.constant 576 : i32
    %add3A_47 = arith.addi %mul3A_45, %add3A_46 : i32
    "tpu.region"() ({
      %run_scoped3A = tpu.sem_alloc : memref<!tpu.dma_semaphore, #tpu.memory_space<semaphore_mem>>
      %dma_start3A = arith.constant 0 : i32
      %dma_start3A_60 = arith.constant 0 : i32
      %dma_start3A_61 = tpu.memref_slice %arg8[%dma_start3A, %dma_start3A_60] : memref<80x128xf32, #tpu.memory_space<vmem>> -> memref<64x128xf32, #tpu.memory_space<vmem>>
      %dma_start3A_62 = arith.constant 0 : i32
      %dma_start3A_63 = tpu.memref_slice %arg9[%add3A_47, %dma_start3A_62] : memref<10240x128xf32, #tpu.memory_space<vmem_shared>> -> memref<64x128xf32, #tpu.memory_space<vmem_shared>>
      %dma_start3A_64 = arith.constant 0 : i32
      %dma_start3A_65 = tpu.memref_slice %arg9[%add3A_47, %dma_start3A_64] : memref<10240x128xf32, #tpu.memory_space<vmem_shared>> -> memref<64x128xf32, #tpu.memory_space<vmem_shared>>
      %dma_start3A_66 = arith.constant 0 : i32
      %dma_start3A_67 = arith.constant 0 : i32
      %dma_start3A_68 = tpu.memref_slice %arg8[%dma_start3A_66, %dma_start3A_67] : memref<80x128xf32, #tpu.memory_space<vmem>> -> memref<64x128xf32, #tpu.memory_space<vmem>>
      tpu.enqueue_dma source(%dma_start3A_68 : memref<64x128xf32, #tpu.memory_space<vmem>>) target(%dma_start3A_65 : memref<64x128xf32, #tpu.memory_space<vmem_shared>>) target_semaphore(%run_scoped3A : memref<!tpu.dma_semaphore, #tpu.memory_space<semaphore_mem>>)
      %dma_wait3A = arith.constant 0 : i32
      %dma_wait3A_69 = arith.constant 0 : i32
      %dma_wait3A_70 = tpu.memref_slice %arg8[%dma_wait3A, %dma_wait3A_69] : memref<80x128xf32, #tpu.memory_space<vmem>> -> memref<64x128xf32, #tpu.memory_space<vmem>>
      %dma_wait3A_71 = arith.constant 0 : i32
      %dma_wait3A_72 = tpu.memref_slice %arg9[%add3A_47, %dma_wait3A_71] : memref<10240x128xf32, #tpu.memory_space<vmem_shared>> -> memref<64x128xf32, #tpu.memory_space<vmem_shared>>
      %dma_wait3A_73 = arith.constant 0 : i32
      %dma_wait3A_74 = tpu.memref_slice %arg9[%add3A_47, %dma_wait3A_73] : memref<10240x128xf32, #tpu.memory_space<vmem_shared>> -> memref<64x128xf32, #tpu.memory_space<vmem_shared>>
      %dma_wait3A_75 = arith.constant 0 : i32
      %dma_wait3A_76 = arith.constant 0 : i32
      %dma_wait3A_77 = tpu.memref_slice %arg8[%dma_wait3A_75, %dma_wait3A_76] : memref<80x128xf32, #tpu.memory_space<vmem>> -> memref<64x128xf32, #tpu.memory_space<vmem>>
      tpu.wait_dma2 semaphore(%run_scoped3A : memref<!tpu.dma_semaphore, #tpu.memory_space<semaphore_mem>>) src(%dma_wait3A_77 : memref<64x128xf32, #tpu.memory_space<vmem>>) dst(%dma_wait3A_74 : memref<64x128xf32, #tpu.memory_space<vmem_shared>>)
      tpu.yield
    }) : () -> ()
    %barrier3A = arith.constant 0 : index
    tpu.barrier barrier_id(%barrier3A)
    %scan3A_48 = arith.constant 0 : i32
    %scan3A_49 = arith.constant 0 : i32
    %scan3A_50 = arith.constant 125 : i32
    %scan3A_51 = arith.addi %scan3A_49, %scan3A_50 : i32
    %scan3A_52 = arith.constant 1 : i32
    %scan3A_53 = scf.for %scan3A_60 = %scan3A_49 to %scan3A_51 step %scan3A_52 iter_args(%scan3A_61 = %scan3A_48) -> (i32)  : i32 {
      %mul3A_62 = arith.constant 10000 : i32
      %mul3A_63 = arith.muli %add3A, %mul3A_62 : i32
      %mul3A_64 = arith.constant 80 : i32
      %mul3A_65 = arith.muli %scan3A_60, %mul3A_64 : i32
      %add3A_66 = arith.addi %mul3A_63, %mul3A_65 : i32
      "tpu.region"() ({
        %run_scoped3A = tpu.sem_alloc : memref<!tpu.dma_semaphore, #tpu.memory_space<semaphore_mem>>
        %dma_start3A_72 = tpu.memref_slice %arg3[%add3A_66] : memref<320000xi32, #tpu.memory_space<hbm>> -> memref<80xi32, #tpu.memory_space<hbm>>
        %dma_start3A_73 = tpu.memref_slice %arg3[%add3A_66] : memref<320000xi32, #tpu.memory_space<hbm>> -> memref<80xi32, #tpu.memory_space<hbm>>
        tpu.enqueue_dma source(%dma_start3A_73 : memref<80xi32, #tpu.memory_space<hbm>>) target(%arg6 : memref<80xi32, #tpu.memory_space<vmem>>) target_semaphore(%run_scoped3A : memref<!tpu.dma_semaphore, #tpu.memory_space<semaphore_mem>>)
        %dma_wait3A_74 = tpu.memref_slice %arg3[%add3A_66] : memref<320000xi32, #tpu.memory_space<hbm>> -> memref<80xi32, #tpu.memory_space<hbm>>
        %dma_wait3A_75 = tpu.memref_slice %arg3[%add3A_66] : memref<320000xi32, #tpu.memory_space<hbm>> -> memref<80xi32, #tpu.memory_space<hbm>>
        tpu.wait_dma2 semaphore(%run_scoped3A : memref<!tpu.dma_semaphore, #tpu.memory_space<semaphore_mem>>) src(%dma_wait3A_75 : memref<80xi32, #tpu.memory_space<hbm>>) dst(%arg6 : memref<80xi32, #tpu.memory_space<vmem>>)
        tpu.yield
      }) : () -> ()
      "tpu.region"() ({
        %run_scoped3A = tpu.sem_alloc : memref<!tpu.dma_semaphore, #tpu.memory_space<semaphore_mem>>
        %dma_start3A_72 = tpu.memref_slice %arg4[%add3A_66] : memref<320000xi32, #tpu.memory_space<hbm>> -> memref<80xi32, #tpu.memory_space<hbm>>
        %dma_start3A_73 = tpu.memref_slice %arg4[%add3A_66] : memref<320000xi32, #tpu.memory_space<hbm>> -> memref<80xi32, #tpu.memory_space<hbm>>
        tpu.enqueue_dma source(%dma_start3A_73 : memref<80xi32, #tpu.memory_space<hbm>>) target(%arg7 : memref<80xi32, #tpu.memory_space<vmem>>) target_semaphore(%run_scoped3A : memref<!tpu.dma_semaphore, #tpu.memory_space<semaphore_mem>>)
        %dma_wait3A_74 = tpu.memref_slice %arg4[%add3A_66] : memref<320000xi32, #tpu.memory_space<hbm>> -> memref<80xi32, #tpu.memory_space<hbm>>
        %dma_wait3A_75 = tpu.memref_slice %arg4[%add3A_66] : memref<320000xi32, #tpu.memory_space<hbm>> -> memref<80xi32, #tpu.memory_space<hbm>>
        tpu.wait_dma2 semaphore(%run_scoped3A : memref<!tpu.dma_semaphore, #tpu.memory_space<semaphore_mem>>) src(%dma_wait3A_75 : memref<80xi32, #tpu.memory_space<hbm>>) dst(%arg7 : memref<80xi32, #tpu.memory_space<vmem>>)
        tpu.yield
      }) : () -> ()
      %dma_start3A = arith.constant 0 : i32
      %dma_start3A_67 = arith.constant 0 : i32
      %dma_start3A_68 = tpu.memref_slice %arg2[%dma_start3A, %dma_start3A_67] : memref<10000x128xf32, #tpu.memory_space<hbm>> -> memref<10000x128xf32, #tpu.memory_space<hbm>>
      tpu.enqueue_indirect_dma source(%dma_start3A_68 : memref<10000x128xf32, #tpu.memory_space<hbm>>) target(%arg8 : memref<80x128xf32, #tpu.memory_space<vmem>>) offsets(%arg6 : memref<80xi32, #tpu.memory_space<vmem>>) semaphore(%arg10 : memref<!tpu.dma_semaphore, #tpu.memory_space<semaphore_mem>>)
      %dma_wait3A = arith.constant 0 : i32
      %dma_wait3A_69 = arith.constant 0 : i32
      %dma_wait3A_70 = tpu.memref_slice %arg2[%dma_wait3A, %dma_wait3A_69] : memref<10000x128xf32, #tpu.memory_space<hbm>> -> memref<10000x128xf32, #tpu.memory_space<hbm>>
      tpu.wait_indirect_dma semaphore(%arg10 : memref<!tpu.dma_semaphore, #tpu.memory_space<semaphore_mem>>) src(%dma_wait3A_70 : memref<10000x128xf32, #tpu.memory_space<hbm>>) dst(%arg8 : memref<80x128xf32, #tpu.memory_space<vmem>>)
      "tpu.region"() ({
        %run_scoped3A = tpu.sem_alloc : memref<!tpu.dma_semaphore, #tpu.memory_space<semaphore_mem>>
        %dma_start3A_72 = arith.constant 0 : i32
        %dma_start3A_73 = arith.constant 0 : i32
        %dma_start3A_74 = tpu.memref_slice %arg9[%dma_start3A_72, %dma_start3A_73] : memref<10240x128xf32, #tpu.memory_space<vmem_shared>> -> memref<10240x128xf32, #tpu.memory_space<vmem_shared>>
        tpu.enqueue_indirect_dma source(%arg8 : memref<80x128xf32, #tpu.memory_space<vmem>>) target(%dma_start3A_74 : memref<10240x128xf32, #tpu.memory_space<vmem_shared>>) offsets(%arg7 : memref<80xi32, #tpu.memory_space<vmem>>) semaphore(%run_scoped3A : memref<!tpu.dma_semaphore, #tpu.memory_space<semaphore_mem>>) {add = true}
        %dma_wait3A_75 = arith.constant 0 : i32
        %dma_wait3A_76 = arith.constant 0 : i32
        %dma_wait3A_77 = tpu.memref_slice %arg9[%dma_wait3A_75, %dma_wait3A_76] : memref<10240x128xf32, #tpu.memory_space<vmem_shared>> -> memref<10240x128xf32, #tpu.memory_space<vmem_shared>>
        tpu.wait_indirect_dma semaphore(%run_scoped3A : memref<!tpu.dma_semaphore, #tpu.memory_space<semaphore_mem>>) src(%arg8 : memref<80x128xf32, #tpu.memory_space<vmem>>) dst(%dma_wait3A_77 : memref<10240x128xf32, #tpu.memory_space<vmem_shared>>)
        tpu.yield
      }) : () -> ()
      %scan3A_71 = arith.constant 0 : i32
      scf.yield %scan3A_71 : i32
    }
    %scan3A_54 = arith.constant 125 : i32
    %barrier3A_55 = arith.constant 0 : index
    tpu.barrier barrier_id(%barrier3A_55)
    %mul3A_56 = arith.constant 640 : i32
    %mul3A_57 = arith.muli %arg1, %mul3A_56 : i32
    %mul3A_58 = arith.constant 640 : i32
    %mul3A_59 = arith.muli %arg1, %mul3A_58 : i32
    "tpu.region"() ({
      %run_scoped3A = tpu.sem_alloc : memref<!tpu.dma_semaphore, #tpu.memory_space<semaphore_mem>>
      %dma_start3A = arith.constant 0 : i32
      %dma_start3A_60 = tpu.memref_slice %arg5[%arg0, %mul3A_59, %dma_start3A] : memref<2x10240x128xf32, #tpu.memory_space<hbm>> -> memref<1x640x128xf32, #tpu.memory_space<hbm>>
      %dma_start3A_61 = tpu.memref_squeeze %dma_start3A_60 : memref<1x640x128xf32, #tpu.memory_space<hbm>> -> memref<640x128xf32, #tpu.memory_space<hbm>>
      %dma_start3A_62 = arith.constant 0 : i32
      %dma_start3A_63 = tpu.memref_slice %arg9[%mul3A_57, %dma_start3A_62] : memref<10240x128xf32, #tpu.memory_space<vmem_shared>> -> memref<640x128xf32, #tpu.memory_space<vmem_shared>>
      tpu.enqueue_dma source(%dma_start3A_63 : memref<640x128xf32, #tpu.memory_space<vmem_shared>>) target(%dma_start3A_61 : memref<640x128xf32, #tpu.memory_space<hbm>>) target_semaphore(%run_scoped3A : memref<!tpu.dma_semaphore, #tpu.memory_space<semaphore_mem>>)
      %dma_wait3A = arith.constant 0 : i32
      %dma_wait3A_64 = tpu.memref_slice %arg5[%arg0, %mul3A_59, %dma_wait3A] : memref<2x10240x128xf32, #tpu.memory_space<hbm>> -> memref<1x640x128xf32, #tpu.memory_space<hbm>>
      %dma_wait3A_65 = tpu.memref_squeeze %dma_wait3A_64 : memref<1x640x128xf32, #tpu.memory_space<hbm>> -> memref<640x128xf32, #tpu.memory_space<hbm>>
      %dma_wait3A_66 = arith.constant 0 : i32
      %dma_wait3A_67 = tpu.memref_slice %arg9[%mul3A_57, %dma_wait3A_66] : memref<10240x128xf32, #tpu.memory_space<vmem_shared>> -> memref<640x128xf32, #tpu.memory_space<vmem_shared>>
      tpu.wait_dma2 semaphore(%run_scoped3A : memref<!tpu.dma_semaphore, #tpu.memory_space<semaphore_mem>>) src(%dma_wait3A_67 : memref<640x128xf32, #tpu.memory_space<vmem_shared>>) dst(%dma_wait3A_65 : memref<640x128xf32, #tpu.memory_space<hbm>>)
      tpu.yield
    }) : () -> ()
    return
  }
}

#map = affine_map<(d0, d1) -> (0)>
module attributes {stable_mosaic.version = 14 : i64} {
  func.func @_deg_body(%arg0: i32, %arg1: i32, %arg2: memref<320000xi32, #tpu.memory_space<hbm>>, %arg3: memref<327680xf32, #tpu.memory_space<hbm>>, %arg4: memref<10000xi32, #tpu.memory_space<vmem>>, %arg5: memref<10240xf32, #tpu.memory_space<vmem>>) attributes {dimension_semantics = [#tpu.dimension_semantics<core_parallel>, #tpu.dimension_semantics<subcore_parallel>], iteration_bounds = array<i64: 2, 16>, scalar_prefetch = 0 : i64, scratch_operands = 2 : i64, tpu.core_type = #tpu.core_type<sc_vector_subcore>, window_params = [{transform_indices = #map}, {transform_indices = #map}]} {
    %mul3A = arith.constant 16 : i32
    %mul3A_0 = arith.muli %arg0, %mul3A : i32
    %add3A = arith.addi %mul3A_0, %arg1 : i32
    %broadcast_in_dim3A = arith.constant 0.000000e+00 : f32
    %broadcast_in_dim3A_1 = vector.broadcast %broadcast_in_dim3A : f32 to vector<16xf32>
    %broadcast_in_dim3A_2 = arith.constant 1.000000e+00 : f32
    %broadcast_in_dim3A_3 = vector.broadcast %broadcast_in_dim3A_2 : f32 to vector<16xf32>
    %scan3A = arith.constant 0 : i32
    %scan3A_4 = arith.constant 0 : i32
    %scan3A_5 = arith.constant 640 : i32
    %scan3A_6 = arith.addi %scan3A_4, %scan3A_5 : i32
    %scan3A_7 = arith.constant 1 : i32
    %scan3A_8 = scf.for %scan3A_21 = %scan3A_4 to %scan3A_6 step %scan3A_7 iter_args(%scan3A_22 = %scan3A) -> (i32)  : i32 {
      %mul3A_23 = arith.constant 16 : i32
      %mul3A_24 = arith.muli %scan3A_21, %mul3A_23 : i32
      %swap3A = arith.index_cast %mul3A_24 : i32 to index
      %swap3A_25 = tpu.vector_load %arg5[%swap3A] {strides = array<i32>} : memref<10240xf32, #tpu.memory_space<vmem>>, vector<16xf32>,
      tpu.vector_store %arg5[%swap3A], %broadcast_in_dim3A_1 {strides = array<i32>} : memref<10240xf32, #tpu.memory_space<vmem>>, vector<16xf32>,
      %scan3A_26 = arith.constant 0 : i32
      scf.yield %scan3A_26 : i32
    }
    %scan3A_9 = arith.constant 640 : i32
    %mul3A_10 = arith.constant 10000 : i32
    %mul3A_11 = arith.muli %add3A, %mul3A_10 : i32
    "tpu.region"() ({
      %run_scoped3A = tpu.sem_alloc : memref<!tpu.dma_semaphore, #tpu.memory_space<semaphore_mem>>
      %dma_start3A = tpu.memref_slice %arg2[%mul3A_11] : memref<320000xi32, #tpu.memory_space<hbm>> -> memref<10000xi32, #tpu.memory_space<hbm>>
      %dma_start3A_21 = tpu.memref_slice %arg2[%mul3A_11] : memref<320000xi32, #tpu.memory_space<hbm>> -> memref<10000xi32, #tpu.memory_space<hbm>>
      tpu.enqueue_dma source(%dma_start3A_21 : memref<10000xi32, #tpu.memory_space<hbm>>) target(%arg4 : memref<10000xi32, #tpu.memory_space<vmem>>) target_semaphore(%run_scoped3A : memref<!tpu.dma_semaphore, #tpu.memory_space<semaphore_mem>>)
      %dma_wait3A = tpu.memref_slice %arg2[%mul3A_11] : memref<320000xi32, #tpu.memory_space<hbm>> -> memref<10000xi32, #tpu.memory_space<hbm>>
      %dma_wait3A_22 = tpu.memref_slice %arg2[%mul3A_11] : memref<320000xi32, #tpu.memory_space<hbm>> -> memref<10000xi32, #tpu.memory_space<hbm>>
      tpu.wait_dma2 semaphore(%run_scoped3A : memref<!tpu.dma_semaphore, #tpu.memory_space<semaphore_mem>>) src(%dma_wait3A_22 : memref<10000xi32, #tpu.memory_space<hbm>>) dst(%arg4 : memref<10000xi32, #tpu.memory_space<vmem>>)
      tpu.yield
    }) : () -> ()
    %scan3A_12 = arith.constant 0 : i32
    %scan3A_13 = arith.constant 0 : i32
    %scan3A_14 = arith.constant 625 : i32
    %scan3A_15 = arith.addi %scan3A_13, %scan3A_14 : i32
    %scan3A_16 = arith.constant 1 : i32
    %scan3A_17 = scf.for %scan3A_21 = %scan3A_13 to %scan3A_15 step %scan3A_16 iter_args(%scan3A_22 = %scan3A_12) -> (i32)  : i32 {
      %mul3A_23 = arith.constant 16 : i32
      %mul3A_24 = arith.muli %scan3A_21, %mul3A_23 : i32
      %get3A = arith.index_cast %mul3A_24 : i32 to index
      %get3A_25 = tpu.vector_load %arg4[%get3A] {strides = array<i32>} : memref<10000xi32, #tpu.memory_space<vmem>>, vector<16xi32>,
      tpu.vector_store_idx %arg5[%get3A_25], %broadcast_in_dim3A_3 {add = true} : memref<10240xf32, #tpu.memory_space<vmem>>[vector<16xi32>], vector<16xf32>,
      %scan3A_26 = arith.constant 0 : i32
      scf.yield %scan3A_26 : i32
    }
    %scan3A_18 = arith.constant 625 : i32
    %mul3A_19 = arith.constant 10240 : i32
    %mul3A_20 = arith.muli %add3A, %mul3A_19 : i32
    "tpu.region"() ({
      %run_scoped3A = tpu.sem_alloc : memref<!tpu.dma_semaphore, #tpu.memory_space<semaphore_mem>>
      %dma_start3A = tpu.memref_slice %arg3[%mul3A_20] : memref<327680xf32, #tpu.memory_space<hbm>> -> memref<10240xf32, #tpu.memory_space<hbm>>
      %dma_start3A_21 = tpu.memref_slice %arg3[%mul3A_20] : memref<327680xf32, #tpu.memory_space<hbm>> -> memref<10240xf32, #tpu.memory_space<hbm>>
      tpu.enqueue_dma source(%arg5 : memref<10240xf32, #tpu.memory_space<vmem>>) target(%dma_start3A_21 : memref<10240xf32, #tpu.memory_space<hbm>>) target_semaphore(%run_scoped3A : memref<!tpu.dma_semaphore, #tpu.memory_space<semaphore_mem>>)
      %dma_wait3A = tpu.memref_slice %arg3[%mul3A_20] : memref<327680xf32, #tpu.memory_space<hbm>> -> memref<10240xf32, #tpu.memory_space<hbm>>
      %dma_wait3A_22 = tpu.memref_slice %arg3[%mul3A_20] : memref<327680xf32, #tpu.memory_space<hbm>> -> memref<10240xf32, #tpu.memory_space<hbm>>
      tpu.wait_dma2 semaphore(%run_scoped3A : memref<!tpu.dma_semaphore, #tpu.memory_space<semaphore_mem>>) src(%arg5 : memref<10240xf32, #tpu.memory_space<vmem>>) dst(%dma_wait3A_22 : memref<10240xf32, #tpu.memory_space<hbm>>)
      tpu.yield
    }) : () -> ()
    return
  }
}

#map = affine_map<(d0, d1) -> (0, 0)>
#map1 = affine_map<(d0, d1) -> (0)>
#map2 = affine_map<(d0, d1) -> (0, 0, 0)>
module attributes {stable_mosaic.version = 14 : i64} {
  func.func @_edge_body(%arg0: i32, %arg1: i32, %arg2: memref<10000x128xf32, #tpu.memory_space<hbm>>, %arg3: memref<320000xi32, #tpu.memory_space<hbm>>, %arg4: memref<320000xi32, #tpu.memory_space<hbm>>, %arg5: memref<2x10240x128xf32, #tpu.memory_space<hbm>>, %arg6: memref<80xi32, #tpu.memory_space<vmem>>, %arg7: memref<80xi32, #tpu.memory_space<vmem>>, %arg8: memref<80x128xf32, #tpu.memory_space<vmem>>, %arg9: memref<10240x128xf32, #tpu.memory_space<vmem_shared>>, %arg10: memref<!tpu.dma_semaphore, #tpu.memory_space<semaphore_mem>>) attributes {dimension_semantics = [#tpu.dimension_semantics<core_parallel>, #tpu.dimension_semantics<subcore_parallel>], iteration_bounds = array<i64: 2, 16>, scalar_prefetch = 0 : i64, scratch_operands = 5 : i64, tpu.core_type = #tpu.core_type<sc_vector_subcore>, window_params = [{transform_indices = #map}, {transform_indices = #map1}, {transform_indices = #map1}, {transform_indices = #map2}]} {
    %mul3A = arith.constant 16 : i32
    %mul3A_0 = arith.muli %arg0, %mul3A : i32
    %add3A = arith.addi %mul3A_0, %arg1 : i32
    %broadcast_in_dim3A = arith.constant 0.000000e+00 : f32
    %broadcast_in_dim3A_1 = vector.broadcast %broadcast_in_dim3A : f32 to vector<16xf32>
    %scan3A = arith.constant 0 : i32
    %scan3A_2 = arith.constant 0 : i32
    %scan3A_3 = arith.constant 80 : i32
    %scan3A_4 = arith.addi %scan3A_2, %scan3A_3 : i32
    %scan3A_5 = arith.constant 1 : i32
    %scan3A_6 = scf.for %scan3A_60 = %scan3A_2 to %scan3A_4 step %scan3A_5 iter_args(%scan3A_61 = %scan3A) -> (i32)  : i32 {
      %swap3A = arith.index_cast %scan3A_60 : i32 to index
      %swap3A_62 = arith.constant 0 : index
      %swap3A_63 = tpu.vector_load %arg8[%swap3A, %swap3A_62] {strides = array<i32>} : memref<80x128xf32, #tpu.memory_space<vmem>>, vector<1x16xf32>,
      %swap3A_64 = vector.shape_cast %swap3A_63 : vector<1x16xf32> to vector<16xf32>
      %swap3A_65 = vector.shape_cast %broadcast_in_dim3A_1 : vector<16xf32> to vector<1x16xf32>
      tpu.vector_store %arg8[%swap3A, %swap3A_62], %swap3A_65 {strides = array<i32>} : memref<80x128xf32, #tpu.memory_space<vmem>>, vector<1x16xf32>,
      %swap3A_66 = arith.index_cast %scan3A_60 : i32 to index
      %swap3A_67 = arith.constant 16 : index
      %swap3A_68 = tpu.vector_load %arg8[%swap3A_66, %swap3A_67] {strides = array<i32>} : memref<80x128xf32, #tpu.memory_space<vmem>>, vector<1x16xf32>,
      %swap3A_69 = vector.shape_cast %swap3A_68 : vector<1x16xf32> to vector<16xf32>
      %swap3A_70 = vector.shape_cast %broadcast_in_dim3A_1 : vector<16xf32> to vector<1x16xf32>
      tpu.vector_store %arg8[%swap3A_66, %swap3A_67], %swap3A_70 {strides = array<i32>} : memref<80x128xf32, #tpu.memory_space<vmem>>, vector<1x16xf32>,
      %swap3A_71 = arith.index_cast %scan3A_60 : i32 to index
      %swap3A_72 = arith.constant 32 : index
      %swap3A_73 = tpu.vector_load %arg8[%swap3A_71, %swap3A_72] {strides = array<i32>} : memref<80x128xf32, #tpu.memory_space<vmem>>, vector<1x16xf32>,
      %swap3A_74 = vector.shape_cast %swap3A_73 : vector<1x16xf32> to vector<16xf32>
      %swap3A_75 = vector.shape_cast %broadcast_in_dim3A_1 : vector<16xf32> to vector<1x16xf32>
      tpu.vector_store %arg8[%swap3A_71, %swap3A_72], %swap3A_75 {strides = array<i32>} : memref<80x128xf32, #tpu.memory_space<vmem>>, vector<1x16xf32>,
      %swap3A_76 = arith.index_cast %scan3A_60 : i32 to index
      %swap3A_77 = arith.constant 48 : index
      %swap3A_78 = tpu.vector_load %arg8[%swap3A_76, %swap3A_77] {strides = array<i32>} : memref<80x128xf32, #tpu.memory_space<vmem>>, vector<1x16xf32>,
      %swap3A_79 = vector.shape_cast %swap3A_78 : vector<1x16xf32> to vector<16xf32>
      %swap3A_80 = vector.shape_cast %broadcast_in_dim3A_1 : vector<16xf32> to vector<1x16xf32>
      tpu.vector_store %arg8[%swap3A_76, %swap3A_77], %swap3A_80 {strides = array<i32>} : memref<80x128xf32, #tpu.memory_space<vmem>>, vector<1x16xf32>,
      %swap3A_81 = arith.index_cast %scan3A_60 : i32 to index
      %swap3A_82 = arith.constant 64 : index
      %swap3A_83 = tpu.vector_load %arg8[%swap3A_81, %swap3A_82] {strides = array<i32>} : memref<80x128xf32, #tpu.memory_space<vmem>>, vector<1x16xf32>,
      %swap3A_84 = vector.shape_cast %swap3A_83 : vector<1x16xf32> to vector<16xf32>
      %swap3A_85 = vector.shape_cast %broadcast_in_dim3A_1 : vector<16xf32> to vector<1x16xf32>
      tpu.vector_store %arg8[%swap3A_81, %swap3A_82], %swap3A_85 {strides = array<i32>} : memref<80x128xf32, #tpu.memory_space<vmem>>, vector<1x16xf32>,
      %swap3A_86 = arith.index_cast %scan3A_60 : i32 to index
      %swap3A_87 = arith.constant 80 : index
      %swap3A_88 = tpu.vector_load %arg8[%swap3A_86, %swap3A_87] {strides = array<i32>} : memref<80x128xf32, #tpu.memory_space<vmem>>, vector<1x16xf32>,
      %swap3A_89 = vector.shape_cast %swap3A_88 : vector<1x16xf32> to vector<16xf32>
      %swap3A_90 = vector.shape_cast %broadcast_in_dim3A_1 : vector<16xf32> to vector<1x16xf32>
      tpu.vector_store %arg8[%swap3A_86, %swap3A_87], %swap3A_90 {strides = array<i32>} : memref<80x128xf32, #tpu.memory_space<vmem>>, vector<1x16xf32>,
      %swap3A_91 = arith.index_cast %scan3A_60 : i32 to index
      %swap3A_92 = arith.constant 96 : index
      %swap3A_93 = tpu.vector_load %arg8[%swap3A_91, %swap3A_92] {strides = array<i32>} : memref<80x128xf32, #tpu.memory_space<vmem>>, vector<1x16xf32>,
      %swap3A_94 = vector.shape_cast %swap3A_93 : vector<1x16xf32> to vector<16xf32>
      %swap3A_95 = vector.shape_cast %broadcast_in_dim3A_1 : vector<16xf32> to vector<1x16xf32>
      tpu.vector_store %arg8[%swap3A_91, %swap3A_92], %swap3A_95 {strides = array<i32>} : memref<80x128xf32, #tpu.memory_space<vmem>>, vector<1x16xf32>,
      %swap3A_96 = arith.index_cast %scan3A_60 : i32 to index
      %swap3A_97 = arith.constant 112 : index
      %swap3A_98 = tpu.vector_load %arg8[%swap3A_96, %swap3A_97] {strides = array<i32>} : memref<80x128xf32, #tpu.memory_space<vmem>>, vector<1x16xf32>,
      %swap3A_99 = vector.shape_cast %swap3A_98 : vector<1x16xf32> to vector<16xf32>
      %swap3A_100 = vector.shape_cast %broadcast_in_dim3A_1 : vector<16xf32> to vector<1x16xf32>
      tpu.vector_store %arg8[%swap3A_96, %swap3A_97], %swap3A_100 {strides = array<i32>} : memref<80x128xf32, #tpu.memory_space<vmem>>, vector<1x16xf32>,
      %scan3A_101 = arith.constant 0 : i32
      scf.yield %scan3A_101 : i32
    }
    %scan3A_7 = arith.constant 80 : i32
    %mul3A_8 = arith.constant 640 : i32
    %mul3A_9 = arith.muli %arg1, %mul3A_8 : i32
    %add3A_10 = arith.constant 0 : i32
    %add3A_11 = arith.addi %mul3A_9, %add3A_10 : i32
    "tpu.region"() ({
      %run_scoped3A = tpu.sem_alloc : memref<!tpu.dma_semaphore, #tpu.memory_space<semaphore_mem>>
      %dma_start3A = arith.constant 0 : i32
      %dma_start3A_60 = arith.constant 0 : i32
      %dma_start3A_61 = tpu.memref_slice %arg8[%dma_start3A, %dma_start3A_60] : memref<80x128xf32, #tpu.memory_space<vmem>> -> memref<64x128xf32, #tpu.memory_space<vmem>>
      %dma_start3A_62 = arith.constant 0 : i32
      %dma_start3A_63 = tpu.memref_slice %arg9[%add3A_11, %dma_start3A_62] : memref<10240x128xf32, #tpu.memory_space<vmem_shared>> -> memref<64x128xf32, #tpu.memory_space<vmem_shared>>
      %dma_start3A_64 = arith.constant 0 : i32
      %dma_start3A_65 = tpu.memref_slice %arg9[%add3A_11, %dma_start3A_64] : memref<10240x128xf32, #tpu.memory_space<vmem_shared>> -> memref<64x128xf32, #tpu.memory_space<vmem_shared>>
      %dma_start3A_66 = arith.constant 0 : i32
      %dma_start3A_67 = arith.constant 0 : i32
      %dma_start3A_68 = tpu.memref_slice %arg8[%dma_start3A_66, %dma_start3A_67] : memref<80x128xf32, #tpu.memory_space<vmem>> -> memref<64x128xf32, #tpu.memory_space<vmem>>
      tpu.enqueue_dma source(%dma_start3A_68 : memref<64x128xf32, #tpu.memory_space<vmem>>) target(%dma_start3A_65 : memref<64x128xf32, #tpu.memory_space<vmem_shared>>) target_semaphore(%run_scoped3A : memref<!tpu.dma_semaphore, #tpu.memory_space<semaphore_mem>>)
      %dma_wait3A = arith.constant 0 : i32
      %dma_wait3A_69 = arith.constant 0 : i32
      %dma_wait3A_70 = tpu.memref_slice %arg8[%dma_wait3A, %dma_wait3A_69] : memref<80x128xf32, #tpu.memory_space<vmem>> -> memref<64x128xf32, #tpu.memory_space<vmem>>
      %dma_wait3A_71 = arith.constant 0 : i32
      %dma_wait3A_72 = tpu.memref_slice %arg9[%add3A_11, %dma_wait3A_71] : memref<10240x128xf32, #tpu.memory_space<vmem_shared>> -> memref<64x128xf32, #tpu.memory_space<vmem_shared>>
      %dma_wait3A_73 = arith.constant 0 : i32
      %dma_wait3A_74 = tpu.memref_slice %arg9[%add3A_11, %dma_wait3A_73] : memref<10240x128xf32, #tpu.memory_space<vmem_shared>> -> memref<64x128xf32, #tpu.memory_space<vmem_shared>>
      %dma_wait3A_75 = arith.constant 0 : i32
      %dma_wait3A_76 = arith.constant 0 : i32
      %dma_wait3A_77 = tpu.memref_slice %arg8[%dma_wait3A_75, %dma_wait3A_76] : memref<80x128xf32, #tpu.memory_space<vmem>> -> memref<64x128xf32, #tpu.memory_space<vmem>>
      tpu.wait_dma2 semaphore(%run_scoped3A : memref<!tpu.dma_semaphore, #tpu.memory_space<semaphore_mem>>) src(%dma_wait3A_77 : memref<64x128xf32, #tpu.memory_space<vmem>>) dst(%dma_wait3A_74 : memref<64x128xf32, #tpu.memory_space<vmem_shared>>)
      tpu.yield
    }) : () -> ()
    %mul3A_12 = arith.constant 640 : i32
    %mul3A_13 = arith.muli %arg1, %mul3A_12 : i32
    %add3A_14 = arith.constant 64 : i32
    %add3A_15 = arith.addi %mul3A_13, %add3A_14 : i32
    "tpu.region"() ({
      %run_scoped3A = tpu.sem_alloc : memref<!tpu.dma_semaphore, #tpu.memory_space<semaphore_mem>>
      %dma_start3A = arith.constant 0 : i32
      %dma_start3A_60 = arith.constant 0 : i32
      %dma_start3A_61 = tpu.memref_slice %arg8[%dma_start3A, %dma_start3A_60] : memref<80x128xf32, #tpu.memory_space<vmem>> -> memref<64x128xf32, #tpu.memory_space<vmem>>
      %dma_start3A_62 = arith.constant 0 : i32
      %dma_start3A_63 = tpu.memref_slice %arg9[%add3A_15, %dma_start3A_62] : memref<10240x128xf32, #tpu.memory_space<vmem_shared>> -> memref<64x128xf32, #tpu.memory_space<vmem_shared>>
      %dma_start3A_64 = arith.constant 0 : i32
      %dma_start3A_65 = tpu.memref_slice %arg9[%add3A_15, %dma_start3A_64] : memref<10240x128xf32, #tpu.memory_space<vmem_shared>> -> memref<64x128xf32, #tpu.memory_space<vmem_shared>>
      %dma_start3A_66 = arith.constant 0 : i32
      %dma_start3A_67 = arith.constant 0 : i32
      %dma_start3A_68 = tpu.memref_slice %arg8[%dma_start3A_66, %dma_start3A_67] : memref<80x128xf32, #tpu.memory_space<vmem>> -> memref<64x128xf32, #tpu.memory_space<vmem>>
      tpu.enqueue_dma source(%dma_start3A_68 : memref<64x128xf32, #tpu.memory_space<vmem>>) target(%dma_start3A_65 : memref<64x128xf32, #tpu.memory_space<vmem_shared>>) target_semaphore(%run_scoped3A : memref<!tpu.dma_semaphore, #tpu.memory_space<semaphore_mem>>)
      %dma_wait3A = arith.constant 0 : i32
      %dma_wait3A_69 = arith.constant 0 : i32
      %dma_wait3A_70 = tpu.memref_slice %arg8[%dma_wait3A, %dma_wait3A_69] : memref<80x128xf32, #tpu.memory_space<vmem>> -> memref<64x128xf32, #tpu.memory_space<vmem>>
      %dma_wait3A_71 = arith.constant 0 : i32
      %dma_wait3A_72 = tpu.memref_slice %arg9[%add3A_15, %dma_wait3A_71] : memref<10240x128xf32, #tpu.memory_space<vmem_shared>> -> memref<64x128xf32, #tpu.memory_space<vmem_shared>>
      %dma_wait3A_73 = arith.constant 0 : i32
      %dma_wait3A_74 = tpu.memref_slice %arg9[%add3A_15, %dma_wait3A_73] : memref<10240x128xf32, #tpu.memory_space<vmem_shared>> -> memref<64x128xf32, #tpu.memory_space<vmem_shared>>
      %dma_wait3A_75 = arith.constant 0 : i32
      %dma_wait3A_76 = arith.constant 0 : i32
      %dma_wait3A_77 = tpu.memref_slice %arg8[%dma_wait3A_75, %dma_wait3A_76] : memref<80x128xf32, #tpu.memory_space<vmem>> -> memref<64x128xf32, #tpu.memory_space<vmem>>
      tpu.wait_dma2 semaphore(%run_scoped3A : memref<!tpu.dma_semaphore, #tpu.memory_space<semaphore_mem>>) src(%dma_wait3A_77 : memref<64x128xf32, #tpu.memory_space<vmem>>) dst(%dma_wait3A_74 : memref<64x128xf32, #tpu.memory_space<vmem_shared>>)
      tpu.yield
    }) : () -> ()
    %mul3A_16 = arith.constant 640 : i32
    %mul3A_17 = arith.muli %arg1, %mul3A_16 : i32
    %add3A_18 = arith.constant 128 : i32
    %add3A_19 = arith.addi %mul3A_17, %add3A_18 : i32
    "tpu.region"() ({
      %run_scoped3A = tpu.sem_alloc : memref<!tpu.dma_semaphore, #tpu.memory_space<semaphore_mem>>
      %dma_start3A = arith.constant 0 : i32
      %dma_start3A_60 = arith.constant 0 : i32
      %dma_start3A_61 = tpu.memref_slice %arg8[%dma_start3A, %dma_start3A_60] : memref<80x128xf32, #tpu.memory_space<vmem>> -> memref<64x128xf32, #tpu.memory_space<vmem>>
      %dma_start3A_62 = arith.constant 0 : i32
      %dma_start3A_63 = tpu.memref_slice %arg9[%add3A_19, %dma_start3A_62] : memref<10240x128xf32, #tpu.memory_space<vmem_shared>> -> memref<64x128xf32, #tpu.memory_space<vmem_shared>>
      %dma_start3A_64 = arith.constant 0 : i32
      %dma_start3A_65 = tpu.memref_slice %arg9[%add3A_19, %dma_start3A_64] : memref<10240x128xf32, #tpu.memory_space<vmem_shared>> -> memref<64x128xf32, #tpu.memory_space<vmem_shared>>
      %dma_start3A_66 = arith.constant 0 : i32
      %dma_start3A_67 = arith.constant 0 : i32
      %dma_start3A_68 = tpu.memref_slice %arg8[%dma_start3A_66, %dma_start3A_67] : memref<80x128xf32, #tpu.memory_space<vmem>> -> memref<64x128xf32, #tpu.memory_space<vmem>>
      tpu.enqueue_dma source(%dma_start3A_68 : memref<64x128xf32, #tpu.memory_space<vmem>>) target(%dma_start3A_65 : memref<64x128xf32, #tpu.memory_space<vmem_shared>>) target_semaphore(%run_scoped3A : memref<!tpu.dma_semaphore, #tpu.memory_space<semaphore_mem>>)
      %dma_wait3A = arith.constant 0 : i32
      %dma_wait3A_69 = arith.constant 0 : i32
      %dma_wait3A_70 = tpu.memref_slice %arg8[%dma_wait3A, %dma_wait3A_69] : memref<80x128xf32, #tpu.memory_space<vmem>> -> memref<64x128xf32, #tpu.memory_space<vmem>>
      %dma_wait3A_71 = arith.constant 0 : i32
      %dma_wait3A_72 = tpu.memref_slice %arg9[%add3A_19, %dma_wait3A_71] : memref<10240x128xf32, #tpu.memory_space<vmem_shared>> -> memref<64x128xf32, #tpu.memory_space<vmem_shared>>
      %dma_wait3A_73 = arith.constant 0 : i32
      %dma_wait3A_74 = tpu.memref_slice %arg9[%add3A_19, %dma_wait3A_73] : memref<10240x128xf32, #tpu.memory_space<vmem_shared>> -> memref<64x128xf32, #tpu.memory_space<vmem_shared>>
      %dma_wait3A_75 = arith.constant 0 : i32
      %dma_wait3A_76 = arith.constant 0 : i32
      %dma_wait3A_77 = tpu.memref_slice %arg8[%dma_wait3A_75, %dma_wait3A_76] : memref<80x128xf32, #tpu.memory_space<vmem>> -> memref<64x128xf32, #tpu.memory_space<vmem>>
      tpu.wait_dma2 semaphore(%run_scoped3A : memref<!tpu.dma_semaphore, #tpu.memory_space<semaphore_mem>>) src(%dma_wait3A_77 : memref<64x128xf32, #tpu.memory_space<vmem>>) dst(%dma_wait3A_74 : memref<64x128xf32, #tpu.memory_space<vmem_shared>>)
      tpu.yield
    }) : () -> ()
    %mul3A_20 = arith.constant 640 : i32
    %mul3A_21 = arith.muli %arg1, %mul3A_20 : i32
    %add3A_22 = arith.constant 192 : i32
    %add3A_23 = arith.addi %mul3A_21, %add3A_22 : i32
    "tpu.region"() ({
      %run_scoped3A = tpu.sem_alloc : memref<!tpu.dma_semaphore, #tpu.memory_space<semaphore_mem>>
      %dma_start3A = arith.constant 0 : i32
      %dma_start3A_60 = arith.constant 0 : i32
      %dma_start3A_61 = tpu.memref_slice %arg8[%dma_start3A, %dma_start3A_60] : memref<80x128xf32, #tpu.memory_space<vmem>> -> memref<64x128xf32, #tpu.memory_space<vmem>>
      %dma_start3A_62 = arith.constant 0 : i32
      %dma_start3A_63 = tpu.memref_slice %arg9[%add3A_23, %dma_start3A_62] : memref<10240x128xf32, #tpu.memory_space<vmem_shared>> -> memref<64x128xf32, #tpu.memory_space<vmem_shared>>
      %dma_start3A_64 = arith.constant 0 : i32
      %dma_start3A_65 = tpu.memref_slice %arg9[%add3A_23, %dma_start3A_64] : memref<10240x128xf32, #tpu.memory_space<vmem_shared>> -> memref<64x128xf32, #tpu.memory_space<vmem_shared>>
      %dma_start3A_66 = arith.constant 0 : i32
      %dma_start3A_67 = arith.constant 0 : i32
      %dma_start3A_68 = tpu.memref_slice %arg8[%dma_start3A_66, %dma_start3A_67] : memref<80x128xf32, #tpu.memory_space<vmem>> -> memref<64x128xf32, #tpu.memory_space<vmem>>
      tpu.enqueue_dma source(%dma_start3A_68 : memref<64x128xf32, #tpu.memory_space<vmem>>) target(%dma_start3A_65 : memref<64x128xf32, #tpu.memory_space<vmem_shared>>) target_semaphore(%run_scoped3A : memref<!tpu.dma_semaphore, #tpu.memory_space<semaphore_mem>>)
      %dma_wait3A = arith.constant 0 : i32
      %dma_wait3A_69 = arith.constant 0 : i32
      %dma_wait3A_70 = tpu.memref_slice %arg8[%dma_wait3A, %dma_wait3A_69] : memref<80x128xf32, #tpu.memory_space<vmem>> -> memref<64x128xf32, #tpu.memory_space<vmem>>
      %dma_wait3A_71 = arith.constant 0 : i32
      %dma_wait3A_72 = tpu.memref_slice %arg9[%add3A_23, %dma_wait3A_71] : memref<10240x128xf32, #tpu.memory_space<vmem_shared>> -> memref<64x128xf32, #tpu.memory_space<vmem_shared>>
      %dma_wait3A_73 = arith.constant 0 : i32
      %dma_wait3A_74 = tpu.memref_slice %arg9[%add3A_23, %dma_wait3A_73] : memref<10240x128xf32, #tpu.memory_space<vmem_shared>> -> memref<64x128xf32, #tpu.memory_space<vmem_shared>>
      %dma_wait3A_75 = arith.constant 0 : i32
      %dma_wait3A_76 = arith.constant 0 : i32
      %dma_wait3A_77 = tpu.memref_slice %arg8[%dma_wait3A_75, %dma_wait3A_76] : memref<80x128xf32, #tpu.memory_space<vmem>> -> memref<64x128xf32, #tpu.memory_space<vmem>>
      tpu.wait_dma2 semaphore(%run_scoped3A : memref<!tpu.dma_semaphore, #tpu.memory_space<semaphore_mem>>) src(%dma_wait3A_77 : memref<64x128xf32, #tpu.memory_space<vmem>>) dst(%dma_wait3A_74 : memref<64x128xf32, #tpu.memory_space<vmem_shared>>)
      tpu.yield
    }) : () -> ()
    %mul3A_24 = arith.constant 640 : i32
    %mul3A_25 = arith.muli %arg1, %mul3A_24 : i32
    %add3A_26 = arith.constant 256 : i32
    %add3A_27 = arith.addi %mul3A_25, %add3A_26 : i32
    "tpu.region"() ({
      %run_scoped3A = tpu.sem_alloc : memref<!tpu.dma_semaphore, #tpu.memory_space<semaphore_mem>>
      %dma_start3A = arith.constant 0 : i32
      %dma_start3A_60 = arith.constant 0 : i32
      %dma_start3A_61 = tpu.memref_slice %arg8[%dma_start3A, %dma_start3A_60] : memref<80x128xf32, #tpu.memory_space<vmem>> -> memref<64x128xf32, #tpu.memory_space<vmem>>
      %dma_start3A_62 = arith.constant 0 : i32
      %dma_start3A_63 = tpu.memref_slice %arg9[%add3A_27, %dma_start3A_62] : memref<10240x128xf32, #tpu.memory_space<vmem_shared>> -> memref<64x128xf32, #tpu.memory_space<vmem_shared>>
      %dma_start3A_64 = arith.constant 0 : i32
      %dma_start3A_65 = tpu.memref_slice %arg9[%add3A_27, %dma_start3A_64] : memref<10240x128xf32, #tpu.memory_space<vmem_shared>> -> memref<64x128xf32, #tpu.memory_space<vmem_shared>>
      %dma_start3A_66 = arith.constant 0 : i32
      %dma_start3A_67 = arith.constant 0 : i32
      %dma_start3A_68 = tpu.memref_slice %arg8[%dma_start3A_66, %dma_start3A_67] : memref<80x128xf32, #tpu.memory_space<vmem>> -> memref<64x128xf32, #tpu.memory_space<vmem>>
      tpu.enqueue_dma source(%dma_start3A_68 : memref<64x128xf32, #tpu.memory_space<vmem>>) target(%dma_start3A_65 : memref<64x128xf32, #tpu.memory_space<vmem_shared>>) target_semaphore(%run_scoped3A : memref<!tpu.dma_semaphore, #tpu.memory_space<semaphore_mem>>)
      %dma_wait3A = arith.constant 0 : i32
      %dma_wait3A_69 = arith.constant 0 : i32
      %dma_wait3A_70 = tpu.memref_slice %arg8[%dma_wait3A, %dma_wait3A_69] : memref<80x128xf32, #tpu.memory_space<vmem>> -> memref<64x128xf32, #tpu.memory_space<vmem>>
      %dma_wait3A_71 = arith.constant 0 : i32
      %dma_wait3A_72 = tpu.memref_slice %arg9[%add3A_27, %dma_wait3A_71] : memref<10240x128xf32, #tpu.memory_space<vmem_shared>> -> memref<64x128xf32, #tpu.memory_space<vmem_shared>>
      %dma_wait3A_73 = arith.constant 0 : i32
      %dma_wait3A_74 = tpu.memref_slice %arg9[%add3A_27, %dma_wait3A_73] : memref<10240x128xf32, #tpu.memory_space<vmem_shared>> -> memref<64x128xf32, #tpu.memory_space<vmem_shared>>
      %dma_wait3A_75 = arith.constant 0 : i32
      %dma_wait3A_76 = arith.constant 0 : i32
      %dma_wait3A_77 = tpu.memref_slice %arg8[%dma_wait3A_75, %dma_wait3A_76] : memref<80x128xf32, #tpu.memory_space<vmem>> -> memref<64x128xf32, #tpu.memory_space<vmem>>
      tpu.wait_dma2 semaphore(%run_scoped3A : memref<!tpu.dma_semaphore, #tpu.memory_space<semaphore_mem>>) src(%dma_wait3A_77 : memref<64x128xf32, #tpu.memory_space<vmem>>) dst(%dma_wait3A_74 : memref<64x128xf32, #tpu.memory_space<vmem_shared>>)
      tpu.yield
    }) : () -> ()
    %mul3A_28 = arith.constant 640 : i32
    %mul3A_29 = arith.muli %arg1, %mul3A_28 : i32
    %add3A_30 = arith.constant 320 : i32
    %add3A_31 = arith.addi %mul3A_29, %add3A_30 : i32
    "tpu.region"() ({
      %run_scoped3A = tpu.sem_alloc : memref<!tpu.dma_semaphore, #tpu.memory_space<semaphore_mem>>
      %dma_start3A = arith.constant 0 : i32
      %dma_start3A_60 = arith.constant 0 : i32
      %dma_start3A_61 = tpu.memref_slice %arg8[%dma_start3A, %dma_start3A_60] : memref<80x128xf32, #tpu.memory_space<vmem>> -> memref<64x128xf32, #tpu.memory_space<vmem>>
      %dma_start3A_62 = arith.constant 0 : i32
      %dma_start3A_63 = tpu.memref_slice %arg9[%add3A_31, %dma_start3A_62] : memref<10240x128xf32, #tpu.memory_space<vmem_shared>> -> memref<64x128xf32, #tpu.memory_space<vmem_shared>>
      %dma_start3A_64 = arith.constant 0 : i32
      %dma_start3A_65 = tpu.memref_slice %arg9[%add3A_31, %dma_start3A_64] : memref<10240x128xf32, #tpu.memory_space<vmem_shared>> -> memref<64x128xf32, #tpu.memory_space<vmem_shared>>
      %dma_start3A_66 = arith.constant 0 : i32
      %dma_start3A_67 = arith.constant 0 : i32
      %dma_start3A_68 = tpu.memref_slice %arg8[%dma_start3A_66, %dma_start3A_67] : memref<80x128xf32, #tpu.memory_space<vmem>> -> memref<64x128xf32, #tpu.memory_space<vmem>>
      tpu.enqueue_dma source(%dma_start3A_68 : memref<64x128xf32, #tpu.memory_space<vmem>>) target(%dma_start3A_65 : memref<64x128xf32, #tpu.memory_space<vmem_shared>>) target_semaphore(%run_scoped3A : memref<!tpu.dma_semaphore, #tpu.memory_space<semaphore_mem>>)
      %dma_wait3A = arith.constant 0 : i32
      %dma_wait3A_69 = arith.constant 0 : i32
      %dma_wait3A_70 = tpu.memref_slice %arg8[%dma_wait3A, %dma_wait3A_69] : memref<80x128xf32, #tpu.memory_space<vmem>> -> memref<64x128xf32, #tpu.memory_space<vmem>>
      %dma_wait3A_71 = arith.constant 0 : i32
      %dma_wait3A_72 = tpu.memref_slice %arg9[%add3A_31, %dma_wait3A_71] : memref<10240x128xf32, #tpu.memory_space<vmem_shared>> -> memref<64x128xf32, #tpu.memory_space<vmem_shared>>
      %dma_wait3A_73 = arith.constant 0 : i32
      %dma_wait3A_74 = tpu.memref_slice %arg9[%add3A_31, %dma_wait3A_73] : memref<10240x128xf32, #tpu.memory_space<vmem_shared>> -> memref<64x128xf32, #tpu.memory_space<vmem_shared>>
      %dma_wait3A_75 = arith.constant 0 : i32
      %dma_wait3A_76 = arith.constant 0 : i32
      %dma_wait3A_77 = tpu.memref_slice %arg8[%dma_wait3A_75, %dma_wait3A_76] : memref<80x128xf32, #tpu.memory_space<vmem>> -> memref<64x128xf32, #tpu.memory_space<vmem>>
      tpu.wait_dma2 semaphore(%run_scoped3A : memref<!tpu.dma_semaphore, #tpu.memory_space<semaphore_mem>>) src(%dma_wait3A_77 : memref<64x128xf32, #tpu.memory_space<vmem>>) dst(%dma_wait3A_74 : memref<64x128xf32, #tpu.memory_space<vmem_shared>>)
      tpu.yield
    }) : () -> ()
    %mul3A_32 = arith.constant 640 : i32
    %mul3A_33 = arith.muli %arg1, %mul3A_32 : i32
    %add3A_34 = arith.constant 384 : i32
    %add3A_35 = arith.addi %mul3A_33, %add3A_34 : i32
    "tpu.region"() ({
      %run_scoped3A = tpu.sem_alloc : memref<!tpu.dma_semaphore, #tpu.memory_space<semaphore_mem>>
      %dma_start3A = arith.constant 0 : i32
      %dma_start3A_60 = arith.constant 0 : i32
      %dma_start3A_61 = tpu.memref_slice %arg8[%dma_start3A, %dma_start3A_60] : memref<80x128xf32, #tpu.memory_space<vmem>> -> memref<64x128xf32, #tpu.memory_space<vmem>>
      %dma_start3A_62 = arith.constant 0 : i32
      %dma_start3A_63 = tpu.memref_slice %arg9[%add3A_35, %dma_start3A_62] : memref<10240x128xf32, #tpu.memory_space<vmem_shared>> -> memref<64x128xf32, #tpu.memory_space<vmem_shared>>
      %dma_start3A_64 = arith.constant 0 : i32
      %dma_start3A_65 = tpu.memref_slice %arg9[%add3A_35, %dma_start3A_64] : memref<10240x128xf32, #tpu.memory_space<vmem_shared>> -> memref<64x128xf32, #tpu.memory_space<vmem_shared>>
      %dma_start3A_66 = arith.constant 0 : i32
      %dma_start3A_67 = arith.constant 0 : i32
      %dma_start3A_68 = tpu.memref_slice %arg8[%dma_start3A_66, %dma_start3A_67] : memref<80x128xf32, #tpu.memory_space<vmem>> -> memref<64x128xf32, #tpu.memory_space<vmem>>
      tpu.enqueue_dma source(%dma_start3A_68 : memref<64x128xf32, #tpu.memory_space<vmem>>) target(%dma_start3A_65 : memref<64x128xf32, #tpu.memory_space<vmem_shared>>) target_semaphore(%run_scoped3A : memref<!tpu.dma_semaphore, #tpu.memory_space<semaphore_mem>>)
      %dma_wait3A = arith.constant 0 : i32
      %dma_wait3A_69 = arith.constant 0 : i32
      %dma_wait3A_70 = tpu.memref_slice %arg8[%dma_wait3A, %dma_wait3A_69] : memref<80x128xf32, #tpu.memory_space<vmem>> -> memref<64x128xf32, #tpu.memory_space<vmem>>
      %dma_wait3A_71 = arith.constant 0 : i32
      %dma_wait3A_72 = tpu.memref_slice %arg9[%add3A_35, %dma_wait3A_71] : memref<10240x128xf32, #tpu.memory_space<vmem_shared>> -> memref<64x128xf32, #tpu.memory_space<vmem_shared>>
      %dma_wait3A_73 = arith.constant 0 : i32
      %dma_wait3A_74 = tpu.memref_slice %arg9[%add3A_35, %dma_wait3A_73] : memref<10240x128xf32, #tpu.memory_space<vmem_shared>> -> memref<64x128xf32, #tpu.memory_space<vmem_shared>>
      %dma_wait3A_75 = arith.constant 0 : i32
      %dma_wait3A_76 = arith.constant 0 : i32
      %dma_wait3A_77 = tpu.memref_slice %arg8[%dma_wait3A_75, %dma_wait3A_76] : memref<80x128xf32, #tpu.memory_space<vmem>> -> memref<64x128xf32, #tpu.memory_space<vmem>>
      tpu.wait_dma2 semaphore(%run_scoped3A : memref<!tpu.dma_semaphore, #tpu.memory_space<semaphore_mem>>) src(%dma_wait3A_77 : memref<64x128xf32, #tpu.memory_space<vmem>>) dst(%dma_wait3A_74 : memref<64x128xf32, #tpu.memory_space<vmem_shared>>)
      tpu.yield
    }) : () -> ()
    %mul3A_36 = arith.constant 640 : i32
    %mul3A_37 = arith.muli %arg1, %mul3A_36 : i32
    %add3A_38 = arith.constant 448 : i32
    %add3A_39 = arith.addi %mul3A_37, %add3A_38 : i32
    "tpu.region"() ({
      %run_scoped3A = tpu.sem_alloc : memref<!tpu.dma_semaphore, #tpu.memory_space<semaphore_mem>>
      %dma_start3A = arith.constant 0 : i32
      %dma_start3A_60 = arith.constant 0 : i32
      %dma_start3A_61 = tpu.memref_slice %arg8[%dma_start3A, %dma_start3A_60] : memref<80x128xf32, #tpu.memory_space<vmem>> -> memref<64x128xf32, #tpu.memory_space<vmem>>
      %dma_start3A_62 = arith.constant 0 : i32
      %dma_start3A_63 = tpu.memref_slice %arg9[%add3A_39, %dma_start3A_62] : memref<10240x128xf32, #tpu.memory_space<vmem_shared>> -> memref<64x128xf32, #tpu.memory_space<vmem_shared>>
      %dma_start3A_64 = arith.constant 0 : i32
      %dma_start3A_65 = tpu.memref_slice %arg9[%add3A_39, %dma_start3A_64] : memref<10240x128xf32, #tpu.memory_space<vmem_shared>> -> memref<64x128xf32, #tpu.memory_space<vmem_shared>>
      %dma_start3A_66 = arith.constant 0 : i32
      %dma_start3A_67 = arith.constant 0 : i32
      %dma_start3A_68 = tpu.memref_slice %arg8[%dma_start3A_66, %dma_start3A_67] : memref<80x128xf32, #tpu.memory_space<vmem>> -> memref<64x128xf32, #tpu.memory_space<vmem>>
      tpu.enqueue_dma source(%dma_start3A_68 : memref<64x128xf32, #tpu.memory_space<vmem>>) target(%dma_start3A_65 : memref<64x128xf32, #tpu.memory_space<vmem_shared>>) target_semaphore(%run_scoped3A : memref<!tpu.dma_semaphore, #tpu.memory_space<semaphore_mem>>)
      %dma_wait3A = arith.constant 0 : i32
      %dma_wait3A_69 = arith.constant 0 : i32
      %dma_wait3A_70 = tpu.memref_slice %arg8[%dma_wait3A, %dma_wait3A_69] : memref<80x128xf32, #tpu.memory_space<vmem>> -> memref<64x128xf32, #tpu.memory_space<vmem>>
      %dma_wait3A_71 = arith.constant 0 : i32
      %dma_wait3A_72 = tpu.memref_slice %arg9[%add3A_39, %dma_wait3A_71] : memref<10240x128xf32, #tpu.memory_space<vmem_shared>> -> memref<64x128xf32, #tpu.memory_space<vmem_shared>>
      %dma_wait3A_73 = arith.constant 0 : i32
      %dma_wait3A_74 = tpu.memref_slice %arg9[%add3A_39, %dma_wait3A_73] : memref<10240x128xf32, #tpu.memory_space<vmem_shared>> -> memref<64x128xf32, #tpu.memory_space<vmem_shared>>
      %dma_wait3A_75 = arith.constant 0 : i32
      %dma_wait3A_76 = arith.constant 0 : i32
      %dma_wait3A_77 = tpu.memref_slice %arg8[%dma_wait3A_75, %dma_wait3A_76] : memref<80x128xf32, #tpu.memory_space<vmem>> -> memref<64x128xf32, #tpu.memory_space<vmem>>
      tpu.wait_dma2 semaphore(%run_scoped3A : memref<!tpu.dma_semaphore, #tpu.memory_space<semaphore_mem>>) src(%dma_wait3A_77 : memref<64x128xf32, #tpu.memory_space<vmem>>) dst(%dma_wait3A_74 : memref<64x128xf32, #tpu.memory_space<vmem_shared>>)
      tpu.yield
    }) : () -> ()
    %mul3A_40 = arith.constant 640 : i32
    %mul3A_41 = arith.muli %arg1, %mul3A_40 : i32
    %add3A_42 = arith.constant 512 : i32
    %add3A_43 = arith.addi %mul3A_41, %add3A_42 : i32
    "tpu.region"() ({
      %run_scoped3A = tpu.sem_alloc : memref<!tpu.dma_semaphore, #tpu.memory_space<semaphore_mem>>
      %dma_start3A = arith.constant 0 : i32
      %dma_start3A_60 = arith.constant 0 : i32
      %dma_start3A_61 = tpu.memref_slice %arg8[%dma_start3A, %dma_start3A_60] : memref<80x128xf32, #tpu.memory_space<vmem>> -> memref<64x128xf32, #tpu.memory_space<vmem>>
      %dma_start3A_62 = arith.constant 0 : i32
      %dma_start3A_63 = tpu.memref_slice %arg9[%add3A_43, %dma_start3A_62] : memref<10240x128xf32, #tpu.memory_space<vmem_shared>> -> memref<64x128xf32, #tpu.memory_space<vmem_shared>>
      %dma_start3A_64 = arith.constant 0 : i32
      %dma_start3A_65 = tpu.memref_slice %arg9[%add3A_43, %dma_start3A_64] : memref<10240x128xf32, #tpu.memory_space<vmem_shared>> -> memref<64x128xf32, #tpu.memory_space<vmem_shared>>
      %dma_start3A_66 = arith.constant 0 : i32
      %dma_start3A_67 = arith.constant 0 : i32
      %dma_start3A_68 = tpu.memref_slice %arg8[%dma_start3A_66, %dma_start3A_67] : memref<80x128xf32, #tpu.memory_space<vmem>> -> memref<64x128xf32, #tpu.memory_space<vmem>>
      tpu.enqueue_dma source(%dma_start3A_68 : memref<64x128xf32, #tpu.memory_space<vmem>>) target(%dma_start3A_65 : memref<64x128xf32, #tpu.memory_space<vmem_shared>>) target_semaphore(%run_scoped3A : memref<!tpu.dma_semaphore, #tpu.memory_space<semaphore_mem>>)
      %dma_wait3A = arith.constant 0 : i32
      %dma_wait3A_69 = arith.constant 0 : i32
      %dma_wait3A_70 = tpu.memref_slice %arg8[%dma_wait3A, %dma_wait3A_69] : memref<80x128xf32, #tpu.memory_space<vmem>> -> memref<64x128xf32, #tpu.memory_space<vmem>>
      %dma_wait3A_71 = arith.constant 0 : i32
      %dma_wait3A_72 = tpu.memref_slice %arg9[%add3A_43, %dma_wait3A_71] : memref<10240x128xf32, #tpu.memory_space<vmem_shared>> -> memref<64x128xf32, #tpu.memory_space<vmem_shared>>
      %dma_wait3A_73 = arith.constant 0 : i32
      %dma_wait3A_74 = tpu.memref_slice %arg9[%add3A_43, %dma_wait3A_73] : memref<10240x128xf32, #tpu.memory_space<vmem_shared>> -> memref<64x128xf32, #tpu.memory_space<vmem_shared>>
      %dma_wait3A_75 = arith.constant 0 : i32
      %dma_wait3A_76 = arith.constant 0 : i32
      %dma_wait3A_77 = tpu.memref_slice %arg8[%dma_wait3A_75, %dma_wait3A_76] : memref<80x128xf32, #tpu.memory_space<vmem>> -> memref<64x128xf32, #tpu.memory_space<vmem>>
      tpu.wait_dma2 semaphore(%run_scoped3A : memref<!tpu.dma_semaphore, #tpu.memory_space<semaphore_mem>>) src(%dma_wait3A_77 : memref<64x128xf32, #tpu.memory_space<vmem>>) dst(%dma_wait3A_74 : memref<64x128xf32, #tpu.memory_space<vmem_shared>>)
      tpu.yield
    }) : () -> ()
    %mul3A_44 = arith.constant 640 : i32
    %mul3A_45 = arith.muli %arg1, %mul3A_44 : i32
    %add3A_46 = arith.constant 576 : i32
    %add3A_47 = arith.addi %mul3A_45, %add3A_46 : i32
    "tpu.region"() ({
      %run_scoped3A = tpu.sem_alloc : memref<!tpu.dma_semaphore, #tpu.memory_space<semaphore_mem>>
      %dma_start3A = arith.constant 0 : i32
      %dma_start3A_60 = arith.constant 0 : i32
      %dma_start3A_61 = tpu.memref_slice %arg8[%dma_start3A, %dma_start3A_60] : memref<80x128xf32, #tpu.memory_space<vmem>> -> memref<64x128xf32, #tpu.memory_space<vmem>>
      %dma_start3A_62 = arith.constant 0 : i32
      %dma_start3A_63 = tpu.memref_slice %arg9[%add3A_47, %dma_start3A_62] : memref<10240x128xf32, #tpu.memory_space<vmem_shared>> -> memref<64x128xf32, #tpu.memory_space<vmem_shared>>
      %dma_start3A_64 = arith.constant 0 : i32
      %dma_start3A_65 = tpu.memref_slice %arg9[%add3A_47, %dma_start3A_64] : memref<10240x128xf32, #tpu.memory_space<vmem_shared>> -> memref<64x128xf32, #tpu.memory_space<vmem_shared>>
      %dma_start3A_66 = arith.constant 0 : i32
      %dma_start3A_67 = arith.constant 0 : i32
      %dma_start3A_68 = tpu.memref_slice %arg8[%dma_start3A_66, %dma_start3A_67] : memref<80x128xf32, #tpu.memory_space<vmem>> -> memref<64x128xf32, #tpu.memory_space<vmem>>
      tpu.enqueue_dma source(%dma_start3A_68 : memref<64x128xf32, #tpu.memory_space<vmem>>) target(%dma_start3A_65 : memref<64x128xf32, #tpu.memory_space<vmem_shared>>) target_semaphore(%run_scoped3A : memref<!tpu.dma_semaphore, #tpu.memory_space<semaphore_mem>>)
      %dma_wait3A = arith.constant 0 : i32
      %dma_wait3A_69 = arith.constant 0 : i32
      %dma_wait3A_70 = tpu.memref_slice %arg8[%dma_wait3A, %dma_wait3A_69] : memref<80x128xf32, #tpu.memory_space<vmem>> -> memref<64x128xf32, #tpu.memory_space<vmem>>
      %dma_wait3A_71 = arith.constant 0 : i32
      %dma_wait3A_72 = tpu.memref_slice %arg9[%add3A_47, %dma_wait3A_71] : memref<10240x128xf32, #tpu.memory_space<vmem_shared>> -> memref<64x128xf32, #tpu.memory_space<vmem_shared>>
      %dma_wait3A_73 = arith.constant 0 : i32
      %dma_wait3A_74 = tpu.memref_slice %arg9[%add3A_47, %dma_wait3A_73] : memref<10240x128xf32, #tpu.memory_space<vmem_shared>> -> memref<64x128xf32, #tpu.memory_space<vmem_shared>>
      %dma_wait3A_75 = arith.constant 0 : i32
      %dma_wait3A_76 = arith.constant 0 : i32
      %dma_wait3A_77 = tpu.memref_slice %arg8[%dma_wait3A_75, %dma_wait3A_76] : memref<80x128xf32, #tpu.memory_space<vmem>> -> memref<64x128xf32, #tpu.memory_space<vmem>>
      tpu.wait_dma2 semaphore(%run_scoped3A : memref<!tpu.dma_semaphore, #tpu.memory_space<semaphore_mem>>) src(%dma_wait3A_77 : memref<64x128xf32, #tpu.memory_space<vmem>>) dst(%dma_wait3A_74 : memref<64x128xf32, #tpu.memory_space<vmem_shared>>)
      tpu.yield
    }) : () -> ()
    %barrier3A = arith.constant 0 : index
    tpu.barrier barrier_id(%barrier3A)
    %scan3A_48 = arith.constant 0 : i32
    %scan3A_49 = arith.constant 0 : i32
    %scan3A_50 = arith.constant 125 : i32
    %scan3A_51 = arith.addi %scan3A_49, %scan3A_50 : i32
    %scan3A_52 = arith.constant 1 : i32
    %scan3A_53 = scf.for %scan3A_60 = %scan3A_49 to %scan3A_51 step %scan3A_52 iter_args(%scan3A_61 = %scan3A_48) -> (i32)  : i32 {
      %mul3A_62 = arith.constant 10000 : i32
      %mul3A_63 = arith.muli %add3A, %mul3A_62 : i32
      %mul3A_64 = arith.constant 80 : i32
      %mul3A_65 = arith.muli %scan3A_60, %mul3A_64 : i32
      %add3A_66 = arith.addi %mul3A_63, %mul3A_65 : i32
      "tpu.region"() ({
        %run_scoped3A = tpu.sem_alloc : memref<!tpu.dma_semaphore, #tpu.memory_space<semaphore_mem>>
        %dma_start3A_72 = tpu.memref_slice %arg3[%add3A_66] : memref<320000xi32, #tpu.memory_space<hbm>> -> memref<80xi32, #tpu.memory_space<hbm>>
        %dma_start3A_73 = tpu.memref_slice %arg3[%add3A_66] : memref<320000xi32, #tpu.memory_space<hbm>> -> memref<80xi32, #tpu.memory_space<hbm>>
        tpu.enqueue_dma source(%dma_start3A_73 : memref<80xi32, #tpu.memory_space<hbm>>) target(%arg6 : memref<80xi32, #tpu.memory_space<vmem>>) target_semaphore(%run_scoped3A : memref<!tpu.dma_semaphore, #tpu.memory_space<semaphore_mem>>)
        %dma_wait3A_74 = tpu.memref_slice %arg3[%add3A_66] : memref<320000xi32, #tpu.memory_space<hbm>> -> memref<80xi32, #tpu.memory_space<hbm>>
        %dma_wait3A_75 = tpu.memref_slice %arg3[%add3A_66] : memref<320000xi32, #tpu.memory_space<hbm>> -> memref<80xi32, #tpu.memory_space<hbm>>
        tpu.wait_dma2 semaphore(%run_scoped3A : memref<!tpu.dma_semaphore, #tpu.memory_space<semaphore_mem>>) src(%dma_wait3A_75 : memref<80xi32, #tpu.memory_space<hbm>>) dst(%arg6 : memref<80xi32, #tpu.memory_space<vmem>>)
        tpu.yield
      }) : () -> ()
      "tpu.region"() ({
        %run_scoped3A = tpu.sem_alloc : memref<!tpu.dma_semaphore, #tpu.memory_space<semaphore_mem>>
        %dma_start3A_72 = tpu.memref_slice %arg4[%add3A_66] : memref<320000xi32, #tpu.memory_space<hbm>> -> memref<80xi32, #tpu.memory_space<hbm>>
        %dma_start3A_73 = tpu.memref_slice %arg4[%add3A_66] : memref<320000xi32, #tpu.memory_space<hbm>> -> memref<80xi32, #tpu.memory_space<hbm>>
        tpu.enqueue_dma source(%dma_start3A_73 : memref<80xi32, #tpu.memory_space<hbm>>) target(%arg7 : memref<80xi32, #tpu.memory_space<vmem>>) target_semaphore(%run_scoped3A : memref<!tpu.dma_semaphore, #tpu.memory_space<semaphore_mem>>)
        %dma_wait3A_74 = tpu.memref_slice %arg4[%add3A_66] : memref<320000xi32, #tpu.memory_space<hbm>> -> memref<80xi32, #tpu.memory_space<hbm>>
        %dma_wait3A_75 = tpu.memref_slice %arg4[%add3A_66] : memref<320000xi32, #tpu.memory_space<hbm>> -> memref<80xi32, #tpu.memory_space<hbm>>
        tpu.wait_dma2 semaphore(%run_scoped3A : memref<!tpu.dma_semaphore, #tpu.memory_space<semaphore_mem>>) src(%dma_wait3A_75 : memref<80xi32, #tpu.memory_space<hbm>>) dst(%arg7 : memref<80xi32, #tpu.memory_space<vmem>>)
        tpu.yield
      }) : () -> ()
      %dma_start3A = arith.constant 0 : i32
      %dma_start3A_67 = arith.constant 0 : i32
      %dma_start3A_68 = tpu.memref_slice %arg2[%dma_start3A, %dma_start3A_67] : memref<10000x128xf32, #tpu.memory_space<hbm>> -> memref<10000x128xf32, #tpu.memory_space<hbm>>
      tpu.enqueue_indirect_dma source(%dma_start3A_68 : memref<10000x128xf32, #tpu.memory_space<hbm>>) target(%arg8 : memref<80x128xf32, #tpu.memory_space<vmem>>) offsets(%arg6 : memref<80xi32, #tpu.memory_space<vmem>>) semaphore(%arg10 : memref<!tpu.dma_semaphore, #tpu.memory_space<semaphore_mem>>)
      %dma_wait3A = arith.constant 0 : i32
      %dma_wait3A_69 = arith.constant 0 : i32
      %dma_wait3A_70 = tpu.memref_slice %arg2[%dma_wait3A, %dma_wait3A_69] : memref<10000x128xf32, #tpu.memory_space<hbm>> -> memref<10000x128xf32, #tpu.memory_space<hbm>>
      tpu.wait_indirect_dma semaphore(%arg10 : memref<!tpu.dma_semaphore, #tpu.memory_space<semaphore_mem>>) src(%dma_wait3A_70 : memref<10000x128xf32, #tpu.memory_space<hbm>>) dst(%arg8 : memref<80x128xf32, #tpu.memory_space<vmem>>)
      "tpu.region"() ({
        %run_scoped3A = tpu.sem_alloc : memref<!tpu.dma_semaphore, #tpu.memory_space<semaphore_mem>>
        %dma_start3A_72 = arith.constant 0 : i32
        %dma_start3A_73 = arith.constant 0 : i32
        %dma_start3A_74 = tpu.memref_slice %arg9[%dma_start3A_72, %dma_start3A_73] : memref<10240x128xf32, #tpu.memory_space<vmem_shared>> -> memref<10240x128xf32, #tpu.memory_space<vmem_shared>>
        tpu.enqueue_indirect_dma source(%arg8 : memref<80x128xf32, #tpu.memory_space<vmem>>) target(%dma_start3A_74 : memref<10240x128xf32, #tpu.memory_space<vmem_shared>>) offsets(%arg7 : memref<80xi32, #tpu.memory_space<vmem>>) semaphore(%run_scoped3A : memref<!tpu.dma_semaphore, #tpu.memory_space<semaphore_mem>>) {add = true}
        %dma_wait3A_75 = arith.constant 0 : i32
        %dma_wait3A_76 = arith.constant 0 : i32
        %dma_wait3A_77 = tpu.memref_slice %arg9[%dma_wait3A_75, %dma_wait3A_76] : memref<10240x128xf32, #tpu.memory_space<vmem_shared>> -> memref<10240x128xf32, #tpu.memory_space<vmem_shared>>
        tpu.wait_indirect_dma semaphore(%run_scoped3A : memref<!tpu.dma_semaphore, #tpu.memory_space<semaphore_mem>>) src(%arg8 : memref<80x128xf32, #tpu.memory_space<vmem>>) dst(%dma_wait3A_77 : memref<10240x128xf32, #tpu.memory_space<vmem_shared>>)
        tpu.yield
      }) : () -> ()
      %scan3A_71 = arith.constant 0 : i32
      scf.yield %scan3A_71 : i32
    }
    %scan3A_54 = arith.constant 125 : i32
    %barrier3A_55 = arith.constant 0 : index
    tpu.barrier barrier_id(%barrier3A_55)
    %mul3A_56 = arith.constant 640 : i32
    %mul3A_57 = arith.muli %arg1, %mul3A_56 : i32
    %mul3A_58 = arith.constant 640 : i32
    %mul3A_59 = arith.muli %arg1, %mul3A_58 : i32
    "tpu.region"() ({
      %run_scoped3A = tpu.sem_alloc : memref<!tpu.dma_semaphore, #tpu.memory_space<semaphore_mem>>
      %dma_start3A = arith.constant 0 : i32
      %dma_start3A_60 = tpu.memref_slice %arg5[%arg0, %mul3A_59, %dma_start3A] : memref<2x10240x128xf32, #tpu.memory_space<hbm>> -> memref<1x640x128xf32, #tpu.memory_space<hbm>>
      %dma_start3A_61 = tpu.memref_squeeze %dma_start3A_60 : memref<1x640x128xf32, #tpu.memory_space<hbm>> -> memref<640x128xf32, #tpu.memory_space<hbm>>
      %dma_start3A_62 = arith.constant 0 : i32
      %dma_start3A_63 = tpu.memref_slice %arg9[%mul3A_57, %dma_start3A_62] : memref<10240x128xf32, #tpu.memory_space<vmem_shared>> -> memref<640x128xf32, #tpu.memory_space<vmem_shared>>
      tpu.enqueue_dma source(%dma_start3A_63 : memref<640x128xf32, #tpu.memory_space<vmem_shared>>) target(%dma_start3A_61 : memref<640x128xf32, #tpu.memory_space<hbm>>) target_semaphore(%run_scoped3A : memref<!tpu.dma_semaphore, #tpu.memory_space<semaphore_mem>>)
      %dma_wait3A = arith.constant 0 : i32
      %dma_wait3A_64 = tpu.memref_slice %arg5[%arg0, %mul3A_59, %dma_wait3A] : memref<2x10240x128xf32, #tpu.memory_space<hbm>> -> memref<1x640x128xf32, #tpu.memory_space<hbm>>
      %dma_wait3A_65 = tpu.memref_squeeze %dma_wait3A_64 : memref<1x640x128xf32, #tpu.memory_space<hbm>> -> memref<640x128xf32, #tpu.memory_space<hbm>>
      %dma_wait3A_66 = arith.constant 0 : i32
      %dma_wait3A_67 = tpu.memref_slice %arg9[%mul3A_57, %dma_wait3A_66] : memref<10240x128xf32, #tpu.memory_space<vmem_shared>> -> memref<640x128xf32, #tpu.memory_space<vmem_shared>>
      tpu.wait_dma2 semaphore(%run_scoped3A : memref<!tpu.dma_semaphore, #tpu.memory_space<semaphore_mem>>) src(%dma_wait3A_67 : memref<640x128xf32, #tpu.memory_space<vmem_shared>>) dst(%dma_wait3A_65 : memref<640x128xf32, #tpu.memory_space<hbm>>)
      tpu.yield
    }) : () -> ()
    return
  }
}

module attributes {stable_mosaic.version = 14 : i64} {
  func.func @_scale_mm_body(%arg0: i32, %arg1: memref<1024x128xf32, #tpu.memory_space<vmem>>, %arg2: memref<128x128xf32, #tpu.memory_space<vmem>>, %arg3: memref<32x10240xf32, #tpu.memory_space<vmem>>, %arg4: memref<1024x128xf32, #tpu.memory_space<vmem>>) attributes {dimension_semantics = [#tpu.dimension_semantics<arbitrary>], iteration_bounds = array<i64: 10>, scalar_prefetch = 0 : i64, scratch_operands = 0 : i64, tpu.core_type = #tpu.core_type<tc>, window_params = [{transform_indices = @transform_0, window_bounds = array<i64: 1024, 128>}, {pipeline_mode = #tpu.pipeline_mode<synchronous>, transform_indices = @transform_1, window_bounds = array<i64: 128, 128>}, {pipeline_mode = #tpu.pipeline_mode<synchronous>, transform_indices = @transform_2, window_bounds = array<i64: 32, 10240>}, {transform_indices = @transform_3, window_bounds = array<i64: 1024, 128>}]} {
    %mul3A = arith.constant 1024 : i32
    %mul3A_0 = arith.muli %arg0, %mul3A : i32
    %get3A = arith.constant 0 : index
    %get3A_1 = arith.index_cast %mul3A_0 : i32 to index
    %get3A_2 = vector.load %arg3[%get3A, %get3A_1] : memref<32x10240xf32, #tpu.memory_space<vmem>>, vector<32x1024xf32>
    %broadcast_in_dim3A = arith.constant 1.000000e+00 : f32
    %broadcast_in_dim3A_3 = vector.broadcast %broadcast_in_dim3A : f32 to vector<32x1xf32>
    %dot_general3A = arith.constant dense<0.000000e+00> : vector<1024x1xf32>
    %dot_general3A_4 = tpu.matmul %get3A_2, %broadcast_in_dim3A_3, %dot_general3A {dimension_numbers = #tpu.dot_dimension_numbers<[0], [0], [1], [1], [0, 1, 1, 1], [], []>, transpose_lhs_hint = false} : vector<32x1024xf32>, vector<32x1xf32>, vector<1024x1xf32> -> vector<1024x1xf32>
    %add3A = arith.constant 1.000000e+00 : f32
    %add3A_5 = vector.broadcast %add3A : f32 to vector<1024x1xf32>
    %add3A_6 = arith.addf %dot_general3A_4, %add3A_5 : vector<1024x1xf32>
    %rsqrt3A = math.rsqrt %add3A_6 : vector<1024x1xf32>
    %get3A_7 = arith.constant 0 : index
    %get3A_8 = arith.constant 0 : index
    %get3A_9 = vector.load %arg1[%get3A_7, %get3A_8] : memref<1024x128xf32, #tpu.memory_space<vmem>>, vector<1024x128xf32>
    %get3A_10 = arith.constant 0 : index
    %get3A_11 = arith.constant 0 : index
    %get3A_12 = vector.load %arg2[%get3A_10, %get3A_11] : memref<128x128xf32, #tpu.memory_space<vmem>>, vector<128x128xf32>
    %dot_general3A_13 = arith.constant dense<0.000000e+00> : vector<1024x128xf32>
    %dot_general3A_14 = tpu.matmul %get3A_9, %get3A_12, %dot_general3A_13 {dimension_numbers = #tpu.dot_dimension_numbers<[1], [0], [0], [1], [0, 0, 1, 1], [], []>, transpose_lhs_hint = false} : vector<1024x128xf32>, vector<128x128xf32>, vector<1024x128xf32> -> vector<1024x128xf32>
    %mul3A_15 = vector.broadcast %rsqrt3A : vector<1024x1xf32> to vector<1024x128xf32>
    %mul3A_16 = arith.mulf %dot_general3A_14, %mul3A_15 : vector<1024x128xf32>
    %swap3A = arith.constant 0 : index
    %swap3A_17 = arith.constant 0 : index
    %swap3A_18 = vector.load %arg4[%swap3A, %swap3A_17] : memref<1024x128xf32, #tpu.memory_space<vmem>>, vector<1024x128xf32>
    tpu.vector_store %arg4[%swap3A, %swap3A_17], %mul3A_16 {strides = array<i32>} : memref<1024x128xf32, #tpu.memory_space<vmem>>, vector<1024x128xf32>,
    return
  }
  func.func @transform_0(%arg0: i32) -> (i32, i32) {
    %c0_i32 = arith.constant 0 : i32
    %c0_i32_0 = arith.constant 0 : i32
    return %arg0, %c0_i32 : i32, i32
  }
  func.func @transform_1(%arg0: i32) -> (i32, i32) {
    %c0_i32 = arith.constant 0 : i32
    %c0_i32_0 = arith.constant 0 : i32
    %c0_i32_1 = arith.constant 0 : i32
    return %c0_i32, %c0_i32_0 : i32, i32
  }
  func.func @transform_2(%arg0: i32) -> (i32, i32) {
    %c0_i32 = arith.constant 0 : i32
    %c0_i32_0 = arith.constant 0 : i32
    %c0_i32_1 = arith.constant 0 : i32
    return %c0_i32, %c0_i32_0 : i32, i32
  }
  func.func @transform_3(%arg0: i32) -> (i32, i32) {
    %c0_i32 = arith.constant 0 : i32
    %c0_i32_0 = arith.constant 0 : i32
    return %arg0, %c0_i32 : i32, i32
  }
}

module attributes {stable_mosaic.version = 14 : i64} {
  func.func @_mid_body(%arg0: i32, %arg1: memref<2x1024x128xf32, #tpu.memory_space<vmem>>, %arg2: memref<1024x128xf32, #tpu.memory_space<vmem>>, %arg3: memref<32x10240xf32, #tpu.memory_space<vmem>>, %arg4: memref<1x128xf32, #tpu.memory_space<vmem>>, %arg5: memref<128x128xf32, #tpu.memory_space<vmem>>, %arg6: memref<1024x128xf32, #tpu.memory_space<vmem>>) attributes {dimension_semantics = [#tpu.dimension_semantics<arbitrary>], iteration_bounds = array<i64: 10>, scalar_prefetch = 0 : i64, scratch_operands = 0 : i64, tpu.core_type = #tpu.core_type<tc>, window_params = [{transform_indices = @transform_0, window_bounds = array<i64: 2, 1024, 128>}, {transform_indices = @transform_1, window_bounds = array<i64: 1024, 128>}, {pipeline_mode = #tpu.pipeline_mode<synchronous>, transform_indices = @transform_2, window_bounds = array<i64: 32, 10240>}, {pipeline_mode = #tpu.pipeline_mode<synchronous>, transform_indices = @transform_3, window_bounds = array<i64: 1, 128>}, {pipeline_mode = #tpu.pipeline_mode<synchronous>, transform_indices = @transform_4, window_bounds = array<i64: 128, 128>}, {transform_indices = @transform_5, window_bounds = array<i64: 1024, 128>}]} {
    %mul3A = arith.constant 1024 : i32
    %mul3A_0 = arith.muli %arg0, %mul3A : i32
    %get3A = arith.constant 0 : index
    %get3A_1 = arith.index_cast %mul3A_0 : i32 to index
    %get3A_2 = vector.load %arg3[%get3A, %get3A_1] : memref<32x10240xf32, #tpu.memory_space<vmem>>, vector<32x1024xf32>
    %broadcast_in_dim3A = arith.constant 1.000000e+00 : f32
    %broadcast_in_dim3A_3 = vector.broadcast %broadcast_in_dim3A : f32 to vector<32x1xf32>
    %dot_general3A = arith.constant dense<0.000000e+00> : vector<1024x1xf32>
    %dot_general3A_4 = tpu.matmul %get3A_2, %broadcast_in_dim3A_3, %dot_general3A {dimension_numbers = #tpu.dot_dimension_numbers<[0], [0], [1], [1], [0, 1, 1, 1], [], []>, transpose_lhs_hint = false} : vector<32x1024xf32>, vector<32x1xf32>, vector<1024x1xf32> -> vector<1024x1xf32>
    %add3A = arith.constant 1.000000e+00 : f32
    %add3A_5 = vector.broadcast %add3A : f32 to vector<1024x1xf32>
    %add3A_6 = arith.addf %dot_general3A_4, %add3A_5 : vector<1024x1xf32>
    %rsqrt3A = math.rsqrt %add3A_6 : vector<1024x1xf32>
    %get3A_7 = arith.constant 0 : index
    %get3A_8 = arith.constant 0 : index
    %get3A_9 = arith.constant 0 : index
    %get3A_10 = vector.load %arg1[%get3A_7, %get3A_8, %get3A_9] : memref<2x1024x128xf32, #tpu.memory_space<vmem>>, vector<1x1024x128xf32>
    %get3A_11 = vector.shape_cast %get3A_10 : vector<1x1024x128xf32> to vector<1024x128xf32>
    %get3A_12 = arith.constant 1 : index
    %get3A_13 = arith.constant 0 : index
    %get3A_14 = arith.constant 0 : index
    %get3A_15 = vector.load %arg1[%get3A_12, %get3A_13, %get3A_14] : memref<2x1024x128xf32, #tpu.memory_space<vmem>>, vector<1x1024x128xf32>
    %get3A_16 = vector.shape_cast %get3A_15 : vector<1x1024x128xf32> to vector<1024x128xf32>
    %add3A_17 = arith.addf %get3A_11, %get3A_16 : vector<1024x128xf32>
    %get3A_18 = arith.constant 0 : index
    %get3A_19 = arith.constant 0 : index
    %get3A_20 = vector.load %arg2[%get3A_18, %get3A_19] : memref<1024x128xf32, #tpu.memory_space<vmem>>, vector<1024x128xf32>
    %add3A_21 = arith.addf %add3A_17, %get3A_20 : vector<1024x128xf32>
    %mul3A_22 = vector.broadcast %rsqrt3A : vector<1024x1xf32> to vector<1024x128xf32>
    %mul3A_23 = arith.mulf %mul3A_22, %add3A_21 : vector<1024x128xf32>
    %get3A_24 = arith.constant 0 : index
    %get3A_25 = arith.constant 0 : index
    %get3A_26 = vector.load %arg4[%get3A_24, %get3A_25] : memref<1x128xf32, #tpu.memory_space<vmem>>, vector<1x128xf32>
    %add3A_27 = vector.broadcast %get3A_26 : vector<1x128xf32> to vector<1024x128xf32>
    %add3A_28 = arith.addf %mul3A_23, %add3A_27 : vector<1024x128xf32>
    %max3A = arith.constant 0.000000e+00 : f32
    %max3A_29 = vector.broadcast %max3A : f32 to vector<1024x128xf32>
    %max3A_30 = arith.maximumf %add3A_28, %max3A_29 : vector<1024x128xf32>
    %get3A_31 = arith.constant 0 : index
    %get3A_32 = arith.constant 0 : index
    %get3A_33 = vector.load %arg5[%get3A_31, %get3A_32] : memref<128x128xf32, #tpu.memory_space<vmem>>, vector<128x128xf32>
    %dot_general3A_34 = arith.constant dense<0.000000e+00> : vector<1024x128xf32>
    %dot_general3A_35 = tpu.matmul %max3A_30, %get3A_33, %dot_general3A_34 {dimension_numbers = #tpu.dot_dimension_numbers<[1], [0], [0], [1], [0, 0, 1, 1], [], []>, transpose_lhs_hint = false} : vector<1024x128xf32>, vector<128x128xf32>, vector<1024x128xf32> -> vector<1024x128xf32>
    %mul3A_36 = vector.broadcast %rsqrt3A : vector<1024x1xf32> to vector<1024x128xf32>
    %mul3A_37 = arith.mulf %dot_general3A_35, %mul3A_36 : vector<1024x128xf32>
    %swap3A = arith.constant 0 : index
    %swap3A_38 = arith.constant 0 : index
    %swap3A_39 = vector.load %arg6[%swap3A, %swap3A_38] : memref<1024x128xf32, #tpu.memory_space<vmem>>, vector<1024x128xf32>
    tpu.vector_store %arg6[%swap3A, %swap3A_38], %mul3A_37 {strides = array<i32>} : memref<1024x128xf32, #tpu.memory_space<vmem>>, vector<1024x128xf32>,
    return
  }
  func.func @transform_0(%arg0: i32) -> (i32, i32, i32) {
    %c0_i32 = arith.constant 0 : i32
    %c0_i32_0 = arith.constant 0 : i32
    %c0_i32_1 = arith.constant 0 : i32
    return %c0_i32, %arg0, %c0_i32_0 : i32, i32, i32
  }
  func.func @transform_1(%arg0: i32) -> (i32, i32) {
    %c0_i32 = arith.constant 0 : i32
    %c0_i32_0 = arith.constant 0 : i32
    return %arg0, %c0_i32 : i32, i32
  }
  func.func @transform_2(%arg0: i32) -> (i32, i32) {
    %c0_i32 = arith.constant 0 : i32
    %c0_i32_0 = arith.constant 0 : i32
    %c0_i32_1 = arith.constant 0 : i32
    return %c0_i32, %c0_i32_0 : i32, i32
  }
  func.func @transform_3(%arg0: i32) -> (i32, i32) {
    %c0_i32 = arith.constant 0 : i32
    %c0_i32_0 = arith.constant 0 : i32
    %c0_i32_1 = arith.constant 0 : i32
    return %c0_i32, %c0_i32_0 : i32, i32
  }
  func.func @transform_4(%arg0: i32) -> (i32, i32) {
    %c0_i32 = arith.constant 0 : i32
    %c0_i32_0 = arith.constant 0 : i32
    %c0_i32_1 = arith.constant 0 : i32
    return %c0_i32, %c0_i32_0 : i32, i32
  }
  func.func @transform_5(%arg0: i32) -> (i32, i32) {
    %c0_i32 = arith.constant 0 : i32
    %c0_i32_0 = arith.constant 0 : i32
    return %arg0, %c0_i32 : i32, i32
  }
}

module attributes {stable_mosaic.version = 14 : i64} {
  func.func @_final_body(%arg0: i32, %arg1: memref<2x1024x128xf32, #tpu.memory_space<vmem>>, %arg2: memref<1024x128xf32, #tpu.memory_space<vmem>>, %arg3: memref<32x10240xf32, #tpu.memory_space<vmem>>, %arg4: memref<1x128xf32, #tpu.memory_space<vmem>>, %arg5: memref<1024x1xi32, #tpu.memory_space<vmem>>, %arg6: memref<128x128xf32, #tpu.memory_space<vmem>>, %arg7: memref<1x128xf32, #tpu.memory_space<vmem>>, %arg8: memref<64x128xf32, #tpu.memory_space<vmem>>, %arg9: memref<64x128xf32, #tpu.memory_space<vmem>>, %arg10: memref<64x128xf32, #tpu.memory_space<vmem>>) attributes {dimension_semantics = [#tpu.dimension_semantics<arbitrary>], iteration_bounds = array<i64: 10>, scalar_prefetch = 0 : i64, scratch_operands = 2 : i64, tpu.core_type = #tpu.core_type<tc>, window_params = [{transform_indices = @transform_0, window_bounds = array<i64: 2, 1024, 128>}, {transform_indices = @transform_1, window_bounds = array<i64: 1024, 128>}, {pipeline_mode = #tpu.pipeline_mode<synchronous>, transform_indices = @transform_2, window_bounds = array<i64: 32, 10240>}, {pipeline_mode = #tpu.pipeline_mode<synchronous>, transform_indices = @transform_3, window_bounds = array<i64: 1, 128>}, {transform_indices = @transform_4, window_bounds = array<i64: 1024, 1>}, {pipeline_mode = #tpu.pipeline_mode<synchronous>, transform_indices = @transform_5, window_bounds = array<i64: 128, 128>}, {pipeline_mode = #tpu.pipeline_mode<synchronous>, transform_indices = @transform_6, window_bounds = array<i64: 1, 128>}, {pipeline_mode = #tpu.pipeline_mode<synchronous>, transform_indices = @transform_7, window_bounds = array<i64: 64, 128>}]} {
    %eq3A = arith.constant 0 : i32
    %eq3A_0 = arith.cmpi eq, %arg0, %eq3A : i32
    %convert_element_type3A = arith.extui %eq3A_0 : i1 to i32
    %cond3A = arith.constant 0 : i32
    %cond3A_1 = arith.cmpi ne, %convert_element_type3A, %cond3A : i32
    scf.if %cond3A_1 {
      %broadcast_in_dim3A_71 = arith.constant 0.000000e+00 : f32
      %broadcast_in_dim3A_72 = vector.broadcast %broadcast_in_dim3A_71 : f32 to vector<64x128xf32>
      %swap3A_73 = arith.constant 0 : index
      %swap3A_74 = arith.constant 0 : index
      %swap3A_75 = vector.load %arg9[%swap3A_73, %swap3A_74] : memref<64x128xf32, #tpu.memory_space<vmem>>, vector<64x128xf32>
      tpu.vector_store %arg9[%swap3A_73, %swap3A_74], %broadcast_in_dim3A_72 {strides = array<i32>} : memref<64x128xf32, #tpu.memory_space<vmem>>, vector<64x128xf32>,
      %broadcast_in_dim3A_76 = arith.constant 0.000000e+00 : f32
      %broadcast_in_dim3A_77 = vector.broadcast %broadcast_in_dim3A_76 : f32 to vector<64x128xf32>
      %swap3A_78 = arith.constant 0 : index
      %swap3A_79 = arith.constant 0 : index
      %swap3A_80 = vector.load %arg10[%swap3A_78, %swap3A_79] : memref<64x128xf32, #tpu.memory_space<vmem>>, vector<64x128xf32>
      tpu.vector_store %arg10[%swap3A_78, %swap3A_79], %broadcast_in_dim3A_77 {strides = array<i32>} : memref<64x128xf32, #tpu.memory_space<vmem>>, vector<64x128xf32>,
    } else {
    }
    %mul3A = arith.constant 1024 : i32
    %mul3A_2 = arith.muli %arg0, %mul3A : i32
    %get3A = arith.constant 0 : index
    %get3A_3 = arith.index_cast %mul3A_2 : i32 to index
    %get3A_4 = vector.load %arg3[%get3A, %get3A_3] : memref<32x10240xf32, #tpu.memory_space<vmem>>, vector<32x1024xf32>
    %broadcast_in_dim3A = arith.constant 1.000000e+00 : f32
    %broadcast_in_dim3A_5 = vector.broadcast %broadcast_in_dim3A : f32 to vector<32x1xf32>
    %dot_general3A = arith.constant dense<0.000000e+00> : vector<1024x1xf32>
    %dot_general3A_6 = tpu.matmul %get3A_4, %broadcast_in_dim3A_5, %dot_general3A {dimension_numbers = #tpu.dot_dimension_numbers<[0], [0], [1], [1], [0, 1, 1, 1], [], []>, transpose_lhs_hint = false} : vector<32x1024xf32>, vector<32x1xf32>, vector<1024x1xf32> -> vector<1024x1xf32>
    %add3A = arith.constant 1.000000e+00 : f32
    %add3A_7 = vector.broadcast %add3A : f32 to vector<1024x1xf32>
    %add3A_8 = arith.addf %dot_general3A_6, %add3A_7 : vector<1024x1xf32>
    %rsqrt3A = math.rsqrt %add3A_8 : vector<1024x1xf32>
    %get3A_9 = arith.constant 0 : index
    %get3A_10 = arith.constant 0 : index
    %get3A_11 = arith.constant 0 : index
    %get3A_12 = vector.load %arg1[%get3A_9, %get3A_10, %get3A_11] : memref<2x1024x128xf32, #tpu.memory_space<vmem>>, vector<1x1024x128xf32>
    %get3A_13 = vector.shape_cast %get3A_12 : vector<1x1024x128xf32> to vector<1024x128xf32>
    %get3A_14 = arith.constant 1 : index
    %get3A_15 = arith.constant 0 : index
    %get3A_16 = arith.constant 0 : index
    %get3A_17 = vector.load %arg1[%get3A_14, %get3A_15, %get3A_16] : memref<2x1024x128xf32, #tpu.memory_space<vmem>>, vector<1x1024x128xf32>
    %get3A_18 = vector.shape_cast %get3A_17 : vector<1x1024x128xf32> to vector<1024x128xf32>
    %add3A_19 = arith.addf %get3A_13, %get3A_18 : vector<1024x128xf32>
    %get3A_20 = arith.constant 0 : index
    %get3A_21 = arith.constant 0 : index
    %get3A_22 = vector.load %arg2[%get3A_20, %get3A_21] : memref<1024x128xf32, #tpu.memory_space<vmem>>, vector<1024x128xf32>
    %add3A_23 = arith.addf %add3A_19, %get3A_22 : vector<1024x128xf32>
    %mul3A_24 = vector.broadcast %rsqrt3A : vector<1024x1xf32> to vector<1024x128xf32>
    %mul3A_25 = arith.mulf %mul3A_24, %add3A_23 : vector<1024x128xf32>
    %get3A_26 = arith.constant 0 : index
    %get3A_27 = arith.constant 0 : index
    %get3A_28 = vector.load %arg4[%get3A_26, %get3A_27] : memref<1x128xf32, #tpu.memory_space<vmem>>, vector<1x128xf32>
    %add3A_29 = vector.broadcast %get3A_28 : vector<1x128xf32> to vector<1024x128xf32>
    %add3A_30 = arith.addf %mul3A_25, %add3A_29 : vector<1024x128xf32>
    %max3A = arith.constant 0.000000e+00 : f32
    %max3A_31 = vector.broadcast %max3A : f32 to vector<1024x128xf32>
    %max3A_32 = arith.maximumf %add3A_30, %max3A_31 : vector<1024x128xf32>
    %iota3A = tpu.iota {dimensions = array<i32: 1>} : vector<1024x64xi32>
    %iota3A_33 = tpu.iota {dimensions = array<i32: 0>} : vector<1024x64xi32>
    %mul3A_34 = arith.constant 1024 : i32
    %mul3A_35 = arith.muli %arg0, %mul3A_34 : i32
    %add3A_36 = vector.broadcast %mul3A_35 : i32 to vector<1024x64xi32>
    %add3A_37 = arith.addi %iota3A_33, %add3A_36 : vector<1024x64xi32>
    %get3A_38 = arith.constant 0 : index
    %get3A_39 = arith.constant 0 : index
    %get3A_40 = vector.load %arg5[%get3A_38, %get3A_39] : memref<1024x1xi32, #tpu.memory_space<vmem>>, vector<1024x1xi32>
    %eq3A_41 = vector.broadcast %get3A_40 : vector<1024x1xi32> to vector<1024x64xi32>
    %eq3A_42 = arith.cmpi eq, %eq3A_41, %iota3A : vector<1024x64xi32>
    %lt3A = arith.constant 10000 : i32
    %lt3A_43 = vector.broadcast %lt3A : i32 to vector<1024x64xi32>
    %lt3A_44 = arith.cmpi slt, %add3A_37, %lt3A_43 : vector<1024x64xi32>
    %and3A = arith.andi %eq3A_42, %lt3A_44 : vector<1024x64xi1>
    %convert_element_type3A_45 = arith.extui %and3A : vector<1024x64xi1> to vector<1024x64xi32>
    %convert_element_type3A_46 = arith.sitofp %convert_element_type3A_45 : vector<1024x64xi32> to vector<1024x64xf32>
    %get3A_47 = arith.constant 0 : index
    %get3A_48 = arith.constant 0 : index
    %get3A_49 = vector.load %arg9[%get3A_47, %get3A_48] : memref<64x128xf32, #tpu.memory_space<vmem>>, vector<64x128xf32>
    %dot_general3A_50 = arith.constant dense<0.000000e+00> : vector<64x128xf32>
    %dot_general3A_51 = tpu.matmul %convert_element_type3A_46, %max3A_32, %dot_general3A_50 {dimension_numbers = #tpu.dot_dimension_numbers<[0], [0], [1], [1], [0, 1, 1, 1], [], []>, transpose_lhs_hint = false} : vector<1024x64xf32>, vector<1024x128xf32>, vector<64x128xf32> -> vector<64x128xf32>
    %add3A_52 = arith.addf %get3A_49, %dot_general3A_51 : vector<64x128xf32>
    %swap3A = arith.constant 0 : index
    %swap3A_53 = arith.constant 0 : index
    %swap3A_54 = vector.load %arg9[%swap3A, %swap3A_53] : memref<64x128xf32, #tpu.memory_space<vmem>>, vector<64x128xf32>
    tpu.vector_store %arg9[%swap3A, %swap3A_53], %add3A_52 {strides = array<i32>} : memref<64x128xf32, #tpu.memory_space<vmem>>, vector<64x128xf32>,
    %get3A_55 = arith.constant 0 : index
    %get3A_56 = arith.constant 0 : index
    %get3A_57 = vector.load %arg10[%get3A_55, %get3A_56] : memref<64x128xf32, #tpu.memory_space<vmem>>, vector<64x128xf32>
    %broadcast_in_dim3A_58 = arith.constant 1.000000e+00 : f32
    %broadcast_in_dim3A_59 = vector.broadcast %broadcast_in_dim3A_58 : f32 to vector<1024x128xf32>
    %dot_general3A_60 = arith.constant dense<0.000000e+00> : vector<64x128xf32>
    %dot_general3A_61 = tpu.matmul %convert_element_type3A_46, %broadcast_in_dim3A_59, %dot_general3A_60 {dimension_numbers = #tpu.dot_dimension_numbers<[0], [0], [1], [1], [0, 1, 1, 1], [], []>, transpose_lhs_hint = false} : vector<1024x64xf32>, vector<1024x128xf32>, vector<64x128xf32> -> vector<64x128xf32>
    %add3A_62 = arith.addf %get3A_57, %dot_general3A_61 : vector<64x128xf32>
    %swap3A_63 = arith.constant 0 : index
    %swap3A_64 = arith.constant 0 : index
    %swap3A_65 = vector.load %arg10[%swap3A_63, %swap3A_64] : memref<64x128xf32, #tpu.memory_space<vmem>>, vector<64x128xf32>
    tpu.vector_store %arg10[%swap3A_63, %swap3A_64], %add3A_62 {strides = array<i32>} : memref<64x128xf32, #tpu.memory_space<vmem>>, vector<64x128xf32>,
    %eq3A_66 = arith.constant 9 : i32
    %eq3A_67 = arith.cmpi eq, %arg0, %eq3A_66 : i32
    %convert_element_type3A_68 = arith.extui %eq3A_67 : i1 to i32
    %cond3A_69 = arith.constant 0 : i32
    %cond3A_70 = arith.cmpi ne, %convert_element_type3A_68, %cond3A_69 : i32
    scf.if %cond3A_70 {
      %get3A_71 = arith.constant 0 : index
      %get3A_72 = arith.constant 0 : index
      %get3A_73 = vector.load %arg9[%get3A_71, %get3A_72] : memref<64x128xf32, #tpu.memory_space<vmem>>, vector<64x128xf32>
      %get3A_74 = arith.constant 0 : index
      %get3A_75 = arith.constant 0 : index
      %get3A_76 = vector.load %arg10[%get3A_74, %get3A_75] : memref<64x128xf32, #tpu.memory_space<vmem>>, vector<64x128xf32>
      %max3A_77 = arith.constant 1.000000e+00 : f32
      %max3A_78 = vector.broadcast %max3A_77 : f32 to vector<64x128xf32>
      %max3A_79 = arith.maximumf %get3A_76, %max3A_78 : vector<64x128xf32>
      %div3A = arith.divf %get3A_73, %max3A_79 : vector<64x128xf32>
      %get3A_80 = arith.constant 0 : index
      %get3A_81 = arith.constant 0 : index
      %get3A_82 = vector.load %arg6[%get3A_80, %get3A_81] : memref<128x128xf32, #tpu.memory_space<vmem>>, vector<128x128xf32>
      %dot_general3A_83 = arith.constant dense<0.000000e+00> : vector<64x128xf32>
      %dot_general3A_84 = tpu.matmul %div3A, %get3A_82, %dot_general3A_83 {dimension_numbers = #tpu.dot_dimension_numbers<[1], [0], [0], [1], [0, 0, 1, 1], [], []>, transpose_lhs_hint = false} : vector<64x128xf32>, vector<128x128xf32>, vector<64x128xf32> -> vector<64x128xf32>
      %get3A_85 = arith.constant 0 : index
      %get3A_86 = arith.constant 0 : index
      %get3A_87 = vector.load %arg7[%get3A_85, %get3A_86] : memref<1x128xf32, #tpu.memory_space<vmem>>, vector<1x128xf32>
      %add3A_88 = vector.broadcast %get3A_87 : vector<1x128xf32> to vector<64x128xf32>
      %add3A_89 = arith.addf %dot_general3A_84, %add3A_88 : vector<64x128xf32>
      %swap3A_90 = arith.constant 0 : index
      %swap3A_91 = arith.constant 0 : index
      %swap3A_92 = vector.load %arg8[%swap3A_90, %swap3A_91] : memref<64x128xf32, #tpu.memory_space<vmem>>, vector<64x128xf32>
      tpu.vector_store %arg8[%swap3A_90, %swap3A_91], %add3A_89 {strides = array<i32>} : memref<64x128xf32, #tpu.memory_space<vmem>>, vector<64x128xf32>,
    } else {
    }
    return
  }
  func.func @transform_0(%arg0: i32) -> (i32, i32, i32) {
    %c0_i32 = arith.constant 0 : i32
    %c0_i32_0 = arith.constant 0 : i32
    %c0_i32_1 = arith.constant 0 : i32
    return %c0_i32, %arg0, %c0_i32_0 : i32, i32, i32
  }
  func.func @transform_1(%arg0: i32) -> (i32, i32) {
    %c0_i32 = arith.constant 0 : i32
    %c0_i32_0 = arith.constant 0 : i32
    return %arg0, %c0_i32 : i32, i32
  }
  func.func @transform_2(%arg0: i32) -> (i32, i32) {
    %c0_i32 = arith.constant 0 : i32
    %c0_i32_0 = arith.constant 0 : i32
    %c0_i32_1 = arith.constant 0 : i32
    return %c0_i32, %c0_i32_0 : i32, i32
  }
  func.func @transform_3(%arg0: i32) -> (i32, i32) {
    %c0_i32 = arith.constant 0 : i32
    %c0_i32_0 = arith.constant 0 : i32
    %c0_i32_1 = arith.constant 0 : i32
    return %c0_i32, %c0_i32_0 : i32, i32
  }
  func.func @transform_4(%arg0: i32) -> (i32, i32) {
    %c0_i32 = arith.constant 0 : i32
    %c0_i32_0 = arith.constant 0 : i32
    return %arg0, %c0_i32 : i32, i32
  }
  func.func @transform_5(%arg0: i32) -> (i32, i32) {
    %c0_i32 = arith.constant 0 : i32
    %c0_i32_0 = arith.constant 0 : i32
    %c0_i32_1 = arith.constant 0 : i32
    return %c0_i32, %c0_i32_0 : i32, i32
  }
  func.func @transform_6(%arg0: i32) -> (i32, i32) {
    %c0_i32 = arith.constant 0 : i32
    %c0_i32_0 = arith.constant 0 : i32
    %c0_i32_1 = arith.constant 0 : i32
    return %c0_i32, %c0_i32_0 : i32, i32
  }
  func.func @transform_7(%arg0: i32) -> (i32, i32) {
    %c0_i32 = arith.constant 0 : i32
    %c0_i32_0 = arith.constant 0 : i32
    %c0_i32_1 = arith.constant 0 : i32
    return %c0_i32, %c0_i32_0 : i32, i32
  }
}

</mosaic_0001>

<sc_bundles>
// kernel: kernel.11.cloned.1.call-start
scs
__scs_entry_jumppad:
0x0: {  	(pc) =	sbr.rel $0x88, $3  }
0x1: {  	(tag) =	ssettag $0x0;
	lr =	simm.s32 $0x1  }
0x2: {  	[smem:$0x3F98] =	sst lr;
	_ =	strace $0xD0000000  }
0x3: {  	_ = 	snop  }
0x4: {  	_ = 	snop  }
0x5: {  	_ = 	snop  }
0x6: {  	_ = 	snop  }
0x7: {  	_ = 	snop  }
__scs_overlays_trampoline_lowered:
0x8: {  	[smem:$0x3FA7] =	sst s0  }
0x9: {  	[smem:$0x3FA8] =	sst s1  }
0xa: {  	[smem:$0x3FA9] =	sst s2  }
0xb: {  	[smem:$0x3FAA] =	sst s3  }
0xc: {  	[smem:$0x3FAB] =	sst s4  }
0xd: {  	[smem:$0x3FAC] =	sst s5  }
0xe: {  	[smem:$0x3FAD] =	sst s6  }
0xf: {  	[smem:$0x3FAE] =	sst s7  }
0x10: {  	[smem:$0x3FAF] =	sst s8  }
0x11: {  	[smem:$0x3FB0] =	sst s9;
	s0 =	simm.s32 @!p0 $0x0  }
0x12: {  	s1 =	sld [smem:$0x3F96];
	s0 =	simm.s32 @p0 $0x1  }
0x13: {  	[smem:$0x3FB1] =	sst s0;
	s0 =	simm.s32 @!p1 $0x0  }
0x14: {  	s2 =	sld [smem:$0x3F95];
	s0 =	simm.s32 @p1 $0x1  }
0x15: {  	[smem:$0x3FB2] =	sst s0;
	s0 =	simm.s32 @!p2 $0x0  }
0x16: {  	s3 =	sld [smem:$0x3FDB];
	s0 =	simm.s32 @p2 $0x1  }
0x17: {  	s4 =	simm.s32 $0x1BF5;
	[smem:$0x3FB4] =	sst s0  }
0x18: {  	s0 =	sld [smem:$0x3F97];
	_ =	swait.ge [sflag:s4], $0x0  }
0x19: {  	s7 =	sld [smem:$0x3F98]  }
0x1a: {  	s8 =	sadd.s32 $0xFFFFE003, lr  }
0x1b: {  	s9 =	sadd.s32 $0xFFFFFEF7, lr;
	s5 =	simm.s32 $0xFFFFFFFF;
	p2 =	slt.u32 s8, $0xFFFFF086  }
0x1c: {  	p1 =	slt.u32 s9, $0xF7A;
	s5 =	simm.s32 @!p2 $0x0  }
0x1d: {  	s5 =	simm.s32 @p1 $0x1;
	p0 =	seq.s32 s7, s2  }
0x1e: {  	s7 =	smul.u32 @!p0 $0xF7A, s2;
	p2 =	seq.s32 @!p0 s5, $0x0  }
0x1f: {  	s9 =	smul.u32 $0xF7A, s1;
	s8 =	simm.s32 @!p0 $0x1BF5;
	p2 =	por !p2, p0  }
0x20: {  	[sflag:s8] =	ssyncset.s32 @!p0 $0xFFFFF086;
	s6 =	sadd.s32 @!p0 s3, s7;
	s7 =	simm.s32 @!p0 $0x108  }
0x21: {  	s3 =	sadd.s32 s3, s9;
	s6 =	sadd.s32 @!p0 $0x88, s6;
	s7 =	simm.s32 @p2 $0x1082  }
0x22: {  	[simem:s7], [sflag:s8] =	dma.local @!p0 [hbm:s6], $0xF7A  }
0x23: {  	s9 =	sor.u32 $0xD0000000, s2;
	s6 =	simm.s32 $0x108;
	_ =	swait.ge @!p0 [sflag:s8], $0x0  }
0x24: {  	s3 =	sadd.s32 $0x88, s3;
	s6 =	simm.s32 @!p1 $0x1082;
	[sflag:s4] =	ssyncset.s32 $0xFFFFF086  }
0x25: {  	[simem:s6], [sflag:s4] =	dma.local [hbm:s3], $0xF7A  }
0x26: {  	[smem:$0x3F98] =	sst s1;
	(tag) =	ssettag s2;
	_ =	strace s9  }
0x27: {  	s1 =	sld [smem:$0x3FA8]  }
0x28: {  	s2 =	sld [smem:$0x3FA9]  }
0x29: {  	s4 =	sld [smem:$0x3FAB]  }
0x2a: {  	p0 =	seq.s32 s5, $0x0;
	s5 =	sld [smem:$0x3FAC]  }
0x2b: {  	s6 =	sld [smem:$0x3FAD]  }
0x2c: {  	s7 =	sld [smem:$0x3FAE]  }
0x2d: {  	s3 =	simm.s32 $0x108;
	s8 =	sld [smem:$0x3FAF]  }
0x2e: {  	s3 =	simm.s32 @!p0 $0x1082;
	s9 =	sld [smem:$0x3FB0]  }
0x2f: {  	lr =	sadd.s32 s0, s3;
	s0 =	sld [smem:$0x3FA7]  }
0x30: {  	s3 =	sld [smem:$0x3FAA]  }
0x31: {  	[smem:$0x3FB3] =	sst s10  }
0x32: {  	s10 =	sld [smem:$0x3FB1];
	_ =	sdelay $0x3  }
0x33: {  	p0 =	seq.s32 s10, $0x1;
	s10 =	sld [smem:$0x3FB3];
	_ =	sdelay $0x3  }
0x34: {  	[smem:$0x3FB3] =	sst s10  }
0x35: {  	s10 =	sld [smem:$0x3FB2];
	_ =	sdelay $0x3  }
0x36: {  	p1 =	seq.s32 s10, $0x1;
	s10 =	sld [smem:$0x3FB3];
	_ =	sdelay $0x3  }
0x37: {  	[smem:$0x3FB3] =	sst s10  }
0x38: {  	s10 =	sld [smem:$0x3FB4]  }
0x39: {  	_ = 	snop;
	(pc) =	sbr.ind lr, $3  }
0x3a: {  	_ = 	snop  }
0x3b: {  	_ = 	snop  }
0x3c: {  	p2 =	seq.s32 s10, $0x1;
	s10 =	sld [smem:$0x3FB3]  }
0x3d: {  	_ =	shalt  }
0x3e: {  	_ =	shalt  }
0x3f: {  	_ =	shalt  }
0x40: {  	_ =	shalt  }
0x41: {  	_ =	shalt  }
0x42: {  	_ =	shalt  }
0x43: {  	_ =	shalt  }
0x44: {  	_ =	shalt  }
0x45: {  	_ =	shalt  }
0x46: {  	_ =	shalt  }
0x47: {  	_ =	shalt  }
0x48: {  	_ =	shalt  }
0x49: {  	_ =	shalt  }
0x4a: {  	_ =	shalt  }
0x4b: {  	_ =	shalt  }
0x4c: {  	_ =	shalt  }
0x4d: {  	_ =	shalt  }
0x4e: {  	_ =	shalt  }
0x4f: {  	_ =	shalt  }
0x50: {  	_ =	shalt  }
0x51: {  	_ =	shalt  }
0x52: {  	_ =	shalt  }
0x53: {  	_ =	shalt  }
0x54: {  	_ =	shalt  }
0x55: {  	_ =	shalt  }
0x56: {  	_ =	shalt  }
0x57: {  	_ =	shalt  }
0x58: {  	_ =	shalt  }
0x59: {  	_ =	shalt  }
0x5a: {  	_ =	shalt  }
0x5b: {  	_ =	shalt  }
0x5c: {  	_ =	shalt  }
0x5d: {  	_ =	shalt  }
0x5e: {  	_ =	shalt  }
0x5f: {  	_ =	shalt  }
0x60: {  	_ =	shalt  }
0x61: {  	_ =	shalt  }
0x62: {  	_ =	shalt  }
0x63: {  	_ =	shalt  }
0x64: {  	_ =	shalt  }
0x65: {  	_ =	shalt  }
0x66: {  	_ =	shalt  }
0x67: {  	_ =	shalt  }
0x68: {  	_ =	shalt  }
0x69: {  	_ =	shalt  }
0x6a: {  	_ =	shalt  }
0x6b: {  	_ =	shalt  }
0x6c: {  	_ =	shalt  }
0x6d: {  	_ =	shalt  }
0x6e: {  	_ =	shalt  }
0x6f: {  	_ =	shalt  }
0x70: {  	_ =	shalt  }
0x71: {  	_ =	shalt  }
0x72: {  	_ =	shalt  }
0x73: {  	_ =	shalt  }
0x74: {  	_ =	shalt  }
0x75: {  	_ =	shalt  }
0x76: {  	_ =	shalt  }
0x77: {  	_ =	shalt  }
0x78: {  	_ =	shalt  }
0x79: {  	_ =	shalt  }
0x7a: {  	_ =	shalt  }
0x7b: {  	_ =	shalt  }
0x7c: {  	_ =	shalt  }
0x7d: {  	_ =	shalt  }
0x7e: {  	_ =	shalt  }
0x7f: {  	_ =	shalt  }
0x80: {  	_ =	shalt  }
0x81: {  	_ =	shalt  }
0x82: {  	_ =	shalt  }
0x83: {  	_ =	shalt  }
0x84: {  	_ =	shalt  }
0x85: {  	_ =	shalt  }
0x86: {  	_ =	shalt  }
0x87: {  	_ =	shalt  }
.Lfunc_end0:
.L_simem_size_0:
called_computation.1_lowered:
.L_overlay_start_0:
0x88: {  	s2 =	sld [smem:$0x3FD9]  }
0x89: {  	s3 =	sld [smem:$0x3FFE];
	_ =	sdelay $0x1  }
0x8a: {  	s1 =	srdreg.scid  }
0x8b: {  	s0 =	sand.u32 $0x1, s1  }
0x8c: {  	s16 =	sshll.u32 s0, $0xA;
	s2 =	sadd.s32 s3, s2  }
0x8d: {  	s2 =	sadd.s32 s2, s16  }
0x8e: {  	[smem:$0x3FBF] =	sst s2  }
0x8f: {  	_ = 	snop  }
0x90: {  	(tm) =	ssettm $0x1  }
0x91: {  	s17 =	sld [smem:$0x3FFB];
	_ =	sdelay $0x3  }
0x92: {  	_ =	strace s17  }
0x93: {  	s2 =	sld [smem:$0x3FFC];
	_ =	sdelay $0x3  }
0x94: {  	_ =	strace s2  }
0x95: {  	s2 =	sld [smem:$0x3FFD];
	_ =	sdelay $0x3  }
0x96: {  	_ =	strace s2  }
0x97: {  	_ =	strace $0x8FFFFFFF  }
0x98: {  	s18 =	sld [smem:$0x3FDB];
	_ =	sdelay $0x1  }
0x99: {  	s19 =	simm.s32 $_scs_section_size  }
0x9a: {  	s4 =	simm.s32 $_size__tile_overlayer_lowered;
	s5 =	simm.s32 $_tile_overlayer_lowered  }
0x9b: {  	s22 =	simm.s32 $0x1BFF;
	s21 =	sshll.u32 s5, $0x1;
	s2 =	sadd.s32 s19, s18  }
0x9c: {  	s6 =	simm.s32 $0x0;
	s20 =	sshll.u32 s4, $0x1;
	s4 =	sadd.s32 s21, s2  }
0x9d: {  	[timem:s6], [sflag:s22] =	dma.local [hbm:s4], s20  }
0x9e: {  	_ =	swait.ge [sflag:s22], s20  }
0x9f: {  	s3 =	ssub.s32 $0x0, s20;
	[sflag:s22] =	ssyncset.done $0x0  }
0xa0: {  	[sflag:s22] =	ssyncadd.s32 s3;
	_ =	sdelay $0x1  }
0xa1: {  	s23 =	simm.s32 $0x1B8B  }
0xa2: {  	_ =	swait.ge [sflag:s23], $0x1  }
0xa3: {  	[sflag:s23] =	ssyncset.done $0x0  }
0xa4: {  	s25 =	simm.s32 $0x1B8E;
	s24 =	sld [smem:$0x3FFE];
	[sflag:s23] =	ssyncadd.s32 $0xFFFFFFFF  }
0xa5: {  	s26 =	simm.s32 $execute0_lowered;
	[smem:$0x3FD2] =	sst s25  }
0xa6: {  	s4 =	sshll.u32 s26, $0x1;
	_ =	strace $0x80000049;
	[dreg:$0x1] =	wrdreg $0xFFFFFFFF  }
0xa7: {  	s28 =	simm.s32 $_size_execute0_lowered;
	s2 =	sadd.s32 s2, s4;
	[dreg:$0x0] =	wrdreg $0x0  }
0xa8: {  	s4 =	sshll.u32 s28, $0x1;
	[dreg:$0x2] =	wrdreg s2  }
0xa9: {  	[dreg:$0x3] =	wrdreg s4  }
0xaa: {  	[dreg:$0x4] =	wrdreg $0xC0  }
0xab: {  	_ =	task [dreg:s6], $0x5FFFF  }
0xac: {  	[dreg:$0x1] =	wrdreg $0xFFFFFFFF  }
0xad: {  	[dreg:$0x0] =	wrdreg $0x60  }
0xae: {  	[dreg:$0x2] =	wrdreg s24  }
0xaf: {  	[dreg:$0x3] =	wrdreg $0x29000  }
0xb0: {  	[dreg:$0x4] =	wrdreg $0x9  }
0xb1: {  	_ =	task.clear_ibuf [dreg:s6], $0x5FFFF;
	_ =	strace $0x90000049  }
0xb2: {  	s29 =	simm.s32 $0x9;
	_ =	strace $0x8000004B  }
0xb3: {  	_ =	swait.ge [sflag:s29], $0x1  }
0xb4: {  	[sflag:s29] =	ssyncadd.s32 $0xFFFFFFFF  }
0xb5: {  	_ =	strace $0x9000004B  }
0xb6: {  	_ =	sfence  }
0xb7: {  	s30 =	sld [smem:$0x0];
	_ =	sdelay $0x2  }
0xb8: {  	s31 =	sshll.u32 s1, $0xD;
	s1 =	sshrl.u32 s1, $0x2  }
0xb9: {  	s3 =	sand.u32 $0x4000, s31;
	s1 =	sadd.s32 s1, s30  }
0xba: {  	s0 =	sor.u32 s3, s0;
	s1 =	sshll.u32 s1, $0x11  }
0xbb: {  	s0 =	sor.u32 s1, s0  }
0xbc: {  	s0 =	sadd.s32 $0x8F2B, s0  }
0xbd: {  	[sflag:s0] =	ssyncadd.remote.s32 $0x1  }
0xbe: {  	_ =	sfence.sel $0xFFFF  }
0xbf: {  	[dreg:$0x0] =	wrdreg $0xFFFFFFFF;
	(pc) =	sbr.abs _section_cstart, $3  }
0xc0: {  	[dreg:$0x1] =	wrdreg $0xFFFFFFFF  }
0xc1: {  	_ =	task.clear_ibuf [dreg:s6], $0x2FFFF;
	_ =	strace $0x9FFFFFFF  }
0xc2: {  	(tm) =	ssettm $0x7FFFFFFF  }
0xc3: {  	_ =	shalt  }
tec
execute0_lowered:
.L_overlay_start_1:
0x0: {  	(tag) =	ssettag $0x1  }
0x1: {  	s6 =	rddreg [dreg:$0x0]  }
0x2: {  	s0 =	srdreg.scid;
	s2 =	rddreg [dreg:$0x1]  }
0x3: {  	s1 =	rddreg [dreg:$0x2];
	s3 =	simm.s32 $0x0;
	s5 =	sand.u32 $0x1, s0  }
0x4: {  	s19 =	simm.s32 $0x100;
	s0 =	stileid.u32;
	s4 =	smul.u32 $0x27100, s5  }
0x5: {  	s20 =	simm.s32 $0x2;
	s21 =	simm.s32 $0x80;
	s7 =	smul.u32 $0x2710, s0  }
0x6: {  	s22 =	simm.s32 $0x50;
	s23 =	simm.s32 $0x1;
	s8 =	smul.u32 $0x140000, s5  }
0x7: {  	s24 =	simm.s32 $0x0;
	[smem:$0x7FF] =	sst s3;
	s28 =	smul.u32 $0x14000, s0  }
0x8: {  	s10 =	smul.u32 $0x50000, s0;
	_ =	strace $0x8000004A;
	s29 =	ssub.s32 $0x2, s5  }
0x9: {  	s31 =	sshrl.u32 s29, $0x1;
	s4 =	sadd.s32 s7, s4;
	s7 =	sadd.s32 s28, s8  }
0xa: {  	s30 =	sshrl.u32 s10, $0x2;
	s16 =	ssub.s32 s29, s31;
	s9 =	sshrl.u32 s4, $0x3  }
0xb: {  	s4 =	sadd.s32 $0x16200, s6;
	s7 =	sshrl.u32 s7, $0x3;
	s5 =	sadd.s32 s30, s2  }
0xc: {  	s16 =	smax.u32 s16, $0x1;
	s18 =	sadd.s32 s9, s6;
	s15 =	sadd.s32 s7, s6  }
0xd: {  	s6 =	sadd.s32 $0x2000, s5;
	s7 =	sadd.s32 $0x4000, s5;
	s8 =	sadd.s32 $0x6000, s5  }
0xe: {  	s9 =	sadd.s32 $0x8000, s5;
	s10 =	sadd.s32 $0xA000, s5;
	s11 =	sadd.s32 $0xC000, s5  }
0xf: {  	s12 =	sadd.s32 $0xE000, s5;
	s13 =	sadd.s32 $0x10000, s5;
	s14 =	sadd.s32 $0x12000, s5  }
0x10: {  	v0 =	vimm.f32 $0.0e+00;
	s15 =	sadd.s32 $0x3D400, s15;
	s17 =	sadd.s32 $0xC400, s18;
	s18 =	sadd.s32 $0x2600, s18  }
.LBB2_1:
0x11: {  	s25 =	simm.s32 $0x0;
	s26 =	simm.s32 $0x200  }
.LBB2_2:
0x12: {  	p0 =	sne.s32 s26, $0x9E00;
	[tilespmem:s25+$0x170] =	vst v0  }
0x13: {  	[tilespmem:s25+$0x100] =	vst v0  }
0x14: {  	[tilespmem:s25+$0x110] =	vst v0  }
.Ltmp0:
0x15: {  	[tilespmem:s25+$0x120] =	vst v0;
	(pc) =	sbr.rel @p0 .LBB2_2-.Ltmp0, $4  }
0x16: {  	[tilespmem:s25+$0x130] =	vst v0  }
0x17: {  	[tilespmem:s25+$0x140] =	vst v0  }
0x18: {  	[tilespmem:s25+$0x150] =	vst v0  }
0x19: {  	[tilespmem:s25+$0x160] =	vst v0;
	s25 =	sshra.s32 s26, $0x2;
	s26 =	sadd.s32 $0x200, s26  }
0x1a: {  	[tilespmem:s25+$0x170] =	vst v0  }
0x1b: {  	[tilespmem:s25+$0x100] =	vst v0  }
0x1c: {  	[tilespmem:s25+$0x110] =	vst v0  }
0x1d: {  	[tilespmem:s25+$0x120] =	vst v0  }
0x1e: {  	[tilespmem:s25+$0x130] =	vst v0  }
0x1f: {  	[tilespmem:s25+$0x140] =	vst v0  }
0x20: {  	[tilespmem:s25+$0x150] =	vst v0  }
0x21: {  	[tilespmem:s25+$0x160] =	vst v0  }
0x22: {  	[spmem:s5] =	stream.linear.scatter [tilespmem:s19], [sflag:$0x2], $0x2000, $0x38;
	[tilespmem:$0x16900] =	vst v63  }
0x23: {  	_ =	swait.ge [sflag:s20], $0x2000  }
0x24: {  	[sflag:s20] =	ssyncset.done $0x0  }
0x25: {  	[sflag:s20] =	ssyncadd.s32 $0xFFFFE000  }
0x26: {  	[spmem:s6] =	stream.linear.scatter [tilespmem:s19], [sflag:$0x2], $0x2000, $0x38;
	[tilespmem:$0x16900] =	vst v63  }
0x27: {  	_ =	swait.ge [sflag:s20], $0x2000  }
0x28: {  	[sflag:s20] =	ssyncset.done $0x0  }
0x29: {  	[sflag:s20] =	ssyncadd.s32 $0xFFFFE000  }
0x2a: {  	[spmem:s7] =	stream.linear.scatter [tilespmem:s19], [sflag:$0x2], $0x2000, $0x38;
	[tilespmem:$0x16900] =	vst v63  }
0x2b: {  	_ =	swait.ge [sflag:s20], $0x2000  }
0x2c: {  	[sflag:s20] =	ssyncset.done $0x0  }
0x2d: {  	[sflag:s20] =	ssyncadd.s32 $0xFFFFE000  }
0x2e: {  	[spmem:s8] =	stream.linear.scatter [tilespmem:s19], [sflag:$0x2], $0x2000, $0x38;
	[tilespmem:$0x16900] =	vst v63  }
0x2f: {  	_ =	swait.ge [sflag:s20], $0x2000  }
0x30: {  	[sflag:s20] =	ssyncset.done $0x0  }
0x31: {  	[sflag:s20] =	ssyncadd.s32 $0xFFFFE000  }
0x32: {  	[spmem:s9] =	stream.linear.scatter [tilespmem:s19], [sflag:$0x2], $0x2000, $0x38;
	[tilespmem:$0x16900] =	vst v63  }
0x33: {  	_ =	swait.ge [sflag:s20], $0x2000  }
0x34: {  	[sflag:s20] =	ssyncset.done $0x0  }
0x35: {  	[sflag:s20] =	ssyncadd.s32 $0xFFFFE000  }
0x36: {  	[spmem:s10] =	stream.linear.scatter [tilespmem:s19], [sflag:$0x2], $0x2000, $0x38;
	[tilespmem:$0x16900] =	vst v63  }
0x37: {  	_ =	swait.ge [sflag:s20], $0x2000  }
0x38: {  	[sflag:s20] =	ssyncset.done $0x0  }
0x39: {  	[sflag:s20] =	ssyncadd.s32 $0xFFFFE000  }
0x3a: {  	[spmem:s11] =	stream.linear.scatter [tilespmem:s19], [sflag:$0x2], $0x2000, $0x38;
	[tilespmem:$0x16900] =	vst v63  }
0x3b: {  	_ =	swait.ge [sflag:s20], $0x2000  }
0x3c: {  	[sflag:s20] =	ssyncset.done $0x0  }
0x3d: {  	[sflag:s20] =	ssyncadd.s32 $0xFFFFE000  }
0x3e: {  	[spmem:s12] =	stream.linear.scatter [tilespmem:s19], [sflag:$0x2], $0x2000, $0x38;
	[tilespmem:$0x16900] =	vst v63  }
0x3f: {  	_ =	swait.ge [sflag:s20], $0x2000  }
0x40: {  	[sflag:s20] =	ssyncset.done $0x0  }
0x41: {  	[sflag:s20] =	ssyncadd.s32 $0xFFFFE000  }
0x42: {  	[spmem:s13] =	stream.linear.scatter [tilespmem:s19], [sflag:$0x2], $0x2000, $0x38;
	[tilespmem:$0x16900] =	vst v63  }
0x43: {  	_ =	swait.ge [sflag:s20], $0x2000  }
0x44: {  	[sflag:s20] =	ssyncset.done $0x0  }
0x45: {  	[sflag:s20] =	ssyncadd.s32 $0xFFFFE000  }
0x46: {  	[spmem:s14] =	stream.linear.scatter [tilespmem:s19], [sflag:$0x2], $0x2000, $0x38;
	[tilespmem:$0x16900] =	vst v63  }
0x47: {  	_ =	swait.ge [sflag:s20], $0x2000  }
0x48: {  	[sflag:s20] =	ssyncset.done $0x0  }
0x49: {  	[sflag:s20] =	ssyncadd.s32 $0xFFFFE000  }
0x4a: {  	s30 =	sadd.s32 $0x0, s18;
	[bflag:$0x0] =	sbarrier.arrive $0xFFFF  }
0x4b: {  	[tilespmem:s3], [sflag:$0x2] =	stream.linear.gather [hbm4b:s30+s3], $0x50, $0x38;
	[tilespmem:$0x16900] =	vst v63  }
0x4c: {  	_ =	swait.ge [sflag:s20], $0x50  }
0x4d: {  	[sflag:s20] =	ssyncset.done $0x0  }
0x4e: {  	s31 =	sadd.s32 $0x0, s17;
	[sflag:s20] =	ssyncadd.s32 $0xFFFFFFB0  }
0x4f: {  	[tilespmem:s21], [sflag:$0x2] =	stream.linear.gather [hbm4b:s31+s3], $0x50, $0x38;
	[tilespmem:$0x16900] =	vst v63  }
0x50: {  	_ =	swait.ge [sflag:s20], $0x50  }
0x51: {  	[sflag:s20] =	ssyncset.done $0x0  }
0x52: {  	[sflag:s20] =	ssyncadd.s32 $0xFFFFFFB0  }
0x53: {  	[tilespmem:s19], [sflag:$0x1] =	stream.indirect.gather [hbm4b:s4+s22], $0x80, s3, s22, $0xb8;
	[tilespmem:$0x16900] =	vst v63  }
0x54: {  	_ =	swait.ge [sflag:s23], $0x2800  }
0x55: {  	[sflag:s23] =	ssyncset.done $0x0  }
0x56: {  	[sflag:s23] =	ssyncadd.s32 $0xFFFFD800  }
0x57: {  	[spmem:s2] =	stream.indirect.scatter.add.f32 [tilespmem:s19], [sflag:$0x2], $0x80, s21, s22, $0xb8;
	[tilespmem:$0x16900] =	vst v63  }
0x58: {  	_ =	swait.ge [sflag:s20], $0x2800  }
0x59: {  	s25 =	simm.s32 $0xA;
	s26 =	simm.s32 $0x14;
	[sflag:s20] =	ssyncset.done $0x0  }
.LBB2_4:
0x5a: {  	s28 =	sadd.s32 s25, s18  }
0x5b: {  	[sflag:s20] =	ssyncadd.s32 $0xFFFFD800;
	s29 =	smov.u32 s26;
	s30 =	sadd.s32 $0xA, s26  }
0x5c: {  	[tilespmem:s3], [sflag:$0x2] =	stream.linear.gather [hbm4b:s28+s3], $0x50, $0x38;
	[tilespmem:$0x16900] =	vst v63  }
0x5d: {  	p0 =	sne.s32 s26, $0x4D8;
	_ =	swait.ge [sflag:s20], $0x50  }
0x5e: {  	[sflag:s20] =	ssyncset.done $0x0  }
0x5f: {  	s26 =	sadd.s32 s25, s17;
	s25 =	smov.u32 s29;
	[sflag:s20] =	ssyncadd.s32 $0xFFFFFFB0  }
0x60: {  	[tilespmem:s21], [sflag:$0x2] =	stream.linear.gather [hbm4b:s26+s3], $0x50, $0x38;
	[tilespmem:$0x16900] =	vst v63  }
0x61: {  	_ =	swait.ge [sflag:s20], $0x50  }
0x62: {  	[sflag:s20] =	ssyncset.done $0x0  }
0x63: {  	[sflag:s20] =	ssyncadd.s32 $0xFFFFFFB0  }
0x64: {  	[tilespmem:s19], [sflag:$0x1] =	stream.indirect.gather [hbm4b:s4+s22], $0x80, s3, s22, $0xb8;
	[tilespmem:$0x16900] =	vst v63  }
0x65: {  	_ =	swait.ge [sflag:s23], $0x2800  }
.Ltmp1:
0x66: {  	[sflag:s23] =	ssyncset.done $0x0;
	(pc) =	sbr.rel @p0 .LBB2_4-.Ltmp1, $4  }
0x67: {  	[sflag:s23] =	ssyncadd.s32 $0xFFFFD800  }
0x68: {  	[spmem:s2] =	stream.indirect.scatter.add.f32 [tilespmem:s19], [sflag:$0x2], $0x80, s21, s22, $0xb8;
	[tilespmem:$0x16900] =	vst v63  }
0x69: {  	_ =	swait.ge [sflag:s20], $0x2800  }
0x6a: {  	s26 =	smov.u32 s30;
	[sflag:s20] =	ssyncset.done $0x0  }
0x6b: {  	s26 =	sadd.s32 s25, s18;
	[sflag:s20] =	ssyncadd.s32 $0xFFFFD800  }
0x6c: {  	[tilespmem:s3], [sflag:$0x2] =	stream.linear.gather [hbm4b:s26+s3], $0x50, $0x38;
	[tilespmem:$0x16900] =	vst v63  }
0x6d: {  	_ =	swait.ge [sflag:s20], $0x50  }
0x6e: {  	[sflag:s20] =	ssyncset.done $0x0  }
0x6f: {  	s29 =	sadd.s32 s25, s17;
	[sflag:s20] =	ssyncadd.s32 $0xFFFFFFB0  }
0x70: {  	[tilespmem:s21], [sflag:$0x2] =	stream.linear.gather [hbm4b:s29+s3], $0x50, $0x38;
	[tilespmem:$0x16900] =	vst v63  }
0x71: {  	_ =	swait.ge [sflag:s20], $0x50  }
0x72: {  	[sflag:s20] =	ssyncset.done $0x0  }
0x73: {  	[sflag:s20] =	ssyncadd.s32 $0xFFFFFFB0  }
0x74: {  	[tilespmem:s19], [sflag:$0x1] =	stream.indirect.gather [hbm4b:s4+s22], $0x80, s3, s22, $0xb8;
	[tilespmem:$0x16900] =	vst v63  }
0x75: {  	_ =	swait.ge [sflag:s23], $0x2800  }
0x76: {  	[sflag:s23] =	ssyncset.done $0x0  }
0x77: {  	[sflag:s23] =	ssyncadd.s32 $0xFFFFD800  }
0x78: {  	[spmem:s2] =	stream.indirect.scatter.add.f32 [tilespmem:s19], [sflag:$0x2], $0x80, s21, s22, $0xb8;
	[tilespmem:$0x16900] =	vst v63  }
0x79: {  	_ =	swait.ge [sflag:s20], $0x2800  }
0x7a: {  	s30 =	sshll.u32 s0, $0x6;
	s24 =	sadd.s32 $0x1, s24;
	[sflag:s20] =	ssyncset.done $0x0  }
0x7b: {  	s31 =	sshrl.u32 s5, $0x3;
	p0 =	sne.s32 s24, s16;
	[sflag:s20] =	ssyncadd.s32 $0xFFFFD800  }
.Ltmp2:
0x7c: {  	s25 =	sor.u32 $0x1C02, s30;
	[bflag:$0x0] =	sbarrier.arrive $0xFFFF;
	(pc) =	sbr.rel @p0 .LBB2_1-.Ltmp2, $4  }
0x7d: {  	[hbm:s15], [sflag:s25] =	dma.local [spmem:s31], $0x2800  }
0x7e: {  	_ =	swait.ge [sflag:s20], $0x2800  }
0x7f: {  	[sflag:s20] =	ssyncset.done $0x0  }
0x80: {  	[sflag:s20] =	ssyncadd.s32 $0xFFFFD800  }
0x81: {  	_ =	sfence.sel $0x180000  }
0x82: {  	[bflag:$0x0] =	sbarrier.arrive $0xFFFF  }
0x83: {  	p0 =	sne.s32 s0, $0x0;
	_ =	strace $0x9000004A  }
0x84: {  	s0 =	sadd.s32 @!p0 $0x100000, s1;
	[bflag:$0x2] =	sbarrier.arrive $0xFFFF  }
0x85: {  	[sflag:s0] =	ssyncadd.tile.s32 @!p0 $0x1;
	_ =	shalt  }
.Lfunc_end2:
_tile_overlayer_lowered:
.L_overlay_start_2:
0x86: {  	(tag) =	ssettag $0x2  }
0x87: {  	s0 =	rddreg [dreg:$0x0];
	s2 =	stileid.u32  }
0x88: {  	s1 =	rddreg [dreg:$0x1];
	p0 =	sne.s32 s2, $0x0  }
0x89: {  	s3 =	rddreg [dreg:$0x2];
	[bflag:$0x3] =	sbarrier.arrive $0xFFFF;
	s2 =	simm.s32 @!p0 $0x1C02  }
0x8a: {  	[timem:s3], [sflag:s2] =	dma.local @!p0 [hbm:s0], s1  }
0x8b: {  	s0 =	simm.s32 @!p0 $0x2  }
0x8c: {  	_ =	swait.ge @!p0 [sflag:s0], s1  }
0x8d: {  	s1 =	ssub.s32 @!p0 $0x0, s1;
	[sflag:s0] =	ssyncset.done @!p0 $0x0  }
0x8e: {  	[sflag:s0] =	ssyncadd.s32 @!p0 s1  }
0x8f: {  	[bflag:$0x3] =	sbarrier.arrive $0xFFFF  }
0x90: {  	_ =	shalt  }

// kernel: kernel.14.cloned.1.call-start
scs
__scs_entry_jumppad:
0x0: {  	(pc) =	sbr.rel $0x88, $3  }
0x1: {  	(tag) =	ssettag $0x0;
	lr =	simm.s32 $0x1  }
0x2: {  	[smem:$0x3F98] =	sst lr;
	_ =	strace $0xD0000000  }
0x3: {  	_ = 	snop  }
0x4: {  	_ = 	snop  }
0x5: {  	_ = 	snop  }
0x6: {  	_ = 	snop  }
0x7: {  	_ = 	snop  }
__scs_overlays_trampoline_lowered:
0x8: {  	[smem:$0x3FA7] =	sst s0  }
0x9: {  	[smem:$0x3FA8] =	sst s1  }
0xa: {  	[smem:$0x3FA9] =	sst s2  }
0xb: {  	[smem:$0x3FAA] =	sst s3  }
0xc: {  	[smem:$0x3FAB] =	sst s4  }
0xd: {  	[smem:$0x3FAC] =	sst s5  }
0xe: {  	[smem:$0x3FAD] =	sst s6  }
0xf: {  	[smem:$0x3FAE] =	sst s7  }
0x10: {  	[smem:$0x3FAF] =	sst s8  }
0x11: {  	[smem:$0x3FB0] =	sst s9;
	s0 =	simm.s32 @!p0 $0x0  }
0x12: {  	s1 =	sld [smem:$0x3F96];
	s0 =	simm.s32 @p0 $0x1  }
0x13: {  	[smem:$0x3FB1] =	sst s0;
	s0 =	simm.s32 @!p1 $0x0  }
0x14: {  	s2 =	sld [smem:$0x3F95];
	s0 =	simm.s32 @p1 $0x1  }
0x15: {  	[smem:$0x3FB2] =	sst s0;
	s0 =	simm.s32 @!p2 $0x0  }
0x16: {  	s3 =	sld [smem:$0x3FDB];
	s0 =	simm.s32 @p2 $0x1  }
0x17: {  	s4 =	simm.s32 $0x1BF5;
	[smem:$0x3FB4] =	sst s0  }
0x18: {  	s0 =	sld [smem:$0x3F97];
	_ =	swait.ge [sflag:s4], $0x0  }
0x19: {  	s7 =	sld [smem:$0x3F98]  }
0x1a: {  	s8 =	sadd.s32 $0xFFFFE003, lr  }
0x1b: {  	s9 =	sadd.s32 $0xFFFFFEF7, lr;
	s5 =	simm.s32 $0xFFFFFFFF;
	p2 =	slt.u32 s8, $0xFFFFF086  }
0x1c: {  	p1 =	slt.u32 s9, $0xF7A;
	s5 =	simm.s32 @!p2 $0x0  }
0x1d: {  	s5 =	simm.s32 @p1 $0x1;
	p0 =	seq.s32 s7, s2  }
0x1e: {  	s7 =	smul.u32 @!p0 $0xF7A, s2;
	p2 =	seq.s32 @!p0 s5, $0x0  }
0x1f: {  	s9 =	smul.u32 $0xF7A, s1;
	s8 =	simm.s32 @!p0 $0x1BF5;
	p2 =	por !p2, p0  }
0x20: {  	[sflag:s8] =	ssyncset.s32 @!p0 $0xFFFFF086;
	s6 =	sadd.s32 @!p0 s3, s7;
	s7 =	simm.s32 @!p0 $0x108  }
0x21: {  	s3 =	sadd.s32 s3, s9;
	s6 =	sadd.s32 @!p0 $0x88, s6;
	s7 =	simm.s32 @p2 $0x1082  }
0x22: {  	[simem:s7], [sflag:s8] =	dma.local @!p0 [hbm:s6], $0xF7A  }
0x23: {  	s9 =	sor.u32 $0xD0000000, s2;
	s6 =	simm.s32 $0x108;
	_ =	swait.ge @!p0 [sflag:s8], $0x0  }
0x24: {  	s3 =	sadd.s32 $0x88, s3;
	s6 =	simm.s32 @!p1 $0x1082;
	[sflag:s4] =	ssyncset.s32 $0xFFFFF086  }
0x25: {  	[simem:s6], [sflag:s4] =	dma.local [hbm:s3], $0xF7A  }
0x26: {  	[smem:$0x3F98] =	sst s1;
	(tag) =	ssettag s2;
	_ =	strace s9  }
0x27: {  	s1 =	sld [smem:$0x3FA8]  }
0x28: {  	s2 =	sld [smem:$0x3FA9]  }
0x29: {  	s4 =	sld [smem:$0x3FAB]  }
0x2a: {  	p0 =	seq.s32 s5, $0x0;
	s5 =	sld [smem:$0x3FAC]  }
0x2b: {  	s6 =	sld [smem:$0x3FAD]  }
0x2c: {  	s7 =	sld [smem:$0x3FAE]  }
0x2d: {  	s3 =	simm.s32 $0x108;
	s8 =	sld [smem:$0x3FAF]  }
0x2e: {  	s3 =	simm.s32 @!p0 $0x1082;
	s9 =	sld [smem:$0x3FB0]  }
0x2f: {  	lr =	sadd.s32 s0, s3;
	s0 =	sld [smem:$0x3FA7]  }
0x30: {  	s3 =	sld [smem:$0x3FAA]  }
0x31: {  	[smem:$0x3FB3] =	sst s10  }
0x32: {  	s10 =	sld [smem:$0x3FB1];
	_ =	sdelay $0x3  }
0x33: {  	p0 =	seq.s32 s10, $0x1;
	s10 =	sld [smem:$0x3FB3];
	_ =	sdelay $0x3  }
0x34: {  	[smem:$0x3FB3] =	sst s10  }
0x35: {  	s10 =	sld [smem:$0x3FB2];
	_ =	sdelay $0x3  }
0x36: {  	p1 =	seq.s32 s10, $0x1;
	s10 =	sld [smem:$0x3FB3];
	_ =	sdelay $0x3  }
0x37: {  	[smem:$0x3FB3] =	sst s10  }
0x38: {  	s10 =	sld [smem:$0x3FB4]  }
0x39: {  	_ = 	snop;
	(pc) =	sbr.ind lr, $3  }
0x3a: {  	_ = 	snop  }
0x3b: {  	_ = 	snop  }
0x3c: {  	p2 =	seq.s32 s10, $0x1;
	s10 =	sld [smem:$0x3FB3]  }
0x3d: {  	_ =	shalt  }
0x3e: {  	_ =	shalt  }
0x3f: {  	_ =	shalt  }
0x40: {  	_ =	shalt  }
0x41: {  	_ =	shalt  }
0x42: {  	_ =	shalt  }
0x43: {  	_ =	shalt  }
0x44: {  	_ =	shalt  }
0x45: {  	_ =	shalt  }
0x46: {  	_ =	shalt  }
0x47: {  	_ =	shalt  }
0x48: {  	_ =	shalt  }
0x49: {  	_ =	shalt  }
0x4a: {  	_ =	shalt  }
0x4b: {  	_ =	shalt  }
0x4c: {  	_ =	shalt  }
0x4d: {  	_ =	shalt  }
0x4e: {  	_ =	shalt  }
0x4f: {  	_ =	shalt  }
0x50: {  	_ =	shalt  }
0x51: {  	_ =	shalt  }
0x52: {  	_ =	shalt  }
0x53: {  	_ =	shalt  }
0x54: {  	_ =	shalt  }
0x55: {  	_ =	shalt  }
0x56: {  	_ =	shalt  }
0x57: {  	_ =	shalt  }
0x58: {  	_ =	shalt  }
0x59: {  	_ =	shalt  }
0x5a: {  	_ =	shalt  }
0x5b: {  	_ =	shalt  }
0x5c: {  	_ =	shalt  }
0x5d: {  	_ =	shalt  }
0x5e: {  	_ =	shalt  }
0x5f: {  	_ =	shalt  }
0x60: {  	_ =	shalt  }
0x61: {  	_ =	shalt  }
0x62: {  	_ =	shalt  }
0x63: {  	_ =	shalt  }
0x64: {  	_ =	shalt  }
0x65: {  	_ =	shalt  }
0x66: {  	_ =	shalt  }
0x67: {  	_ =	shalt  }
0x68: {  	_ =	shalt  }
0x69: {  	_ =	shalt  }
0x6a: {  	_ =	shalt  }
0x6b: {  	_ =	shalt  }
0x6c: {  	_ =	shalt  }
0x6d: {  	_ =	shalt  }
0x6e: {  	_ =	shalt  }
0x6f: {  	_ =	shalt  }
0x70: {  	_ =	shalt  }
0x71: {  	_ =	shalt  }
0x72: {  	_ =	shalt  }
0x73: {  	_ =	shalt  }
0x74: {  	_ =	shalt  }
0x75: {  	_ =	shalt  }
0x76: {  	_ =	shalt  }
0x77: {  	_ =	shalt  }
0x78: {  	_ =	shalt  }
0x79: {  	_ =	shalt  }
0x7a: {  	_ =	shalt  }
0x7b: {  	_ =	shalt  }
0x7c: {  	_ =	shalt  }
0x7d: {  	_ =	shalt  }
0x7e: {  	_ =	shalt  }
0x7f: {  	_ =	shalt  }
0x80: {  	_ =	shalt  }
0x81: {  	_ =	shalt  }
0x82: {  	_ =	shalt  }
0x83: {  	_ =	shalt  }
0x84: {  	_ =	shalt  }
0x85: {  	_ =	shalt  }
0x86: {  	_ =	shalt  }
0x87: {  	_ =	shalt  }
.Lfunc_end0:
.L_simem_size_0:
called_computation.2_lowered:
.L_overlay_start_0:
0x88: {  	s2 =	sld [smem:$0x3FD9]  }
0x89: {  	s3 =	sld [smem:$0x3FFE];
	_ =	sdelay $0x1  }
0x8a: {  	s1 =	srdreg.scid  }
0x8b: {  	s0 =	sand.u32 $0x1, s1  }
0x8c: {  	s16 =	sshll.u32 s0, $0xA;
	s2 =	sadd.s32 s3, s2  }
0x8d: {  	s2 =	sadd.s32 s2, s16  }
0x8e: {  	[smem:$0x3FBF] =	sst s2  }
0x8f: {  	_ = 	snop  }
0x90: {  	(tm) =	ssettm $0x1  }
0x91: {  	s17 =	sld [smem:$0x3FFB];
	_ =	sdelay $0x3  }
0x92: {  	_ =	strace s17  }
0x93: {  	s2 =	sld [smem:$0x3FFC];
	_ =	sdelay $0x3  }
0x94: {  	_ =	strace s2  }
0x95: {  	s2 =	sld [smem:$0x3FFD];
	_ =	sdelay $0x3  }
0x96: {  	_ =	strace s2  }
0x97: {  	_ =	strace $0x8FFFFFFF  }
0x98: {  	s18 =	sld [smem:$0x3FDB];
	_ =	sdelay $0x1  }
0x99: {  	s19 =	simm.s32 $_scs_section_size  }
0x9a: {  	s4 =	simm.s32 $_size__tile_overlayer_lowered;
	s5 =	simm.s32 $_tile_overlayer_lowered  }
0x9b: {  	s22 =	simm.s32 $0x1BFF;
	s21 =	sshll.u32 s5, $0x1;
	s2 =	sadd.s32 s19, s18  }
0x9c: {  	s6 =	simm.s32 $0x0;
	s20 =	sshll.u32 s4, $0x1;
	s4 =	sadd.s32 s21, s2  }
0x9d: {  	[timem:s6], [sflag:s22] =	dma.local [hbm:s4], s20  }
0x9e: {  	_ =	swait.ge [sflag:s22], s20  }
0x9f: {  	s3 =	ssub.s32 $0x0, s20;
	[sflag:s22] =	ssyncset.done $0x0  }
0xa0: {  	[sflag:s22] =	ssyncadd.s32 s3;
	_ =	sdelay $0x1  }
0xa1: {  	s23 =	simm.s32 $0x1B8B  }
0xa2: {  	_ =	swait.ge [sflag:s23], $0x1  }
0xa3: {  	[sflag:s23] =	ssyncset.done $0x0  }
0xa4: {  	s25 =	simm.s32 $0x1B8E;
	s24 =	sld [smem:$0x3FFE];
	[sflag:s23] =	ssyncadd.s32 $0xFFFFFFFF  }
0xa5: {  	s26 =	simm.s32 $execute0_lowered;
	[smem:$0x3FD2] =	sst s25  }
0xa6: {  	s4 =	sshll.u32 s26, $0x1;
	_ =	strace $0x8000004C;
	[dreg:$0x1] =	wrdreg $0xFFFFFFFF  }
0xa7: {  	s28 =	simm.s32 $_size_execute0_lowered;
	s2 =	sadd.s32 s2, s4;
	[dreg:$0x0] =	wrdreg $0x0  }
0xa8: {  	s4 =	sshll.u32 s28, $0x1;
	[dreg:$0x2] =	wrdreg s2  }
0xa9: {  	[dreg:$0x3] =	wrdreg s4  }
0xaa: {  	[dreg:$0x4] =	wrdreg $0xC0  }
0xab: {  	_ =	task [dreg:s6], $0x5FFFF  }
0xac: {  	[dreg:$0x1] =	wrdreg $0xFFFFFFFF  }
0xad: {  	[dreg:$0x0] =	wrdreg $0x60  }
0xae: {  	[dreg:$0x2] =	wrdreg s24  }
0xaf: {  	[dreg:$0x3] =	wrdreg $0x29000  }
0xb0: {  	[dreg:$0x4] =	wrdreg $0x9  }
0xb1: {  	_ =	task.clear_ibuf [dreg:s6], $0x5FFFF;
	_ =	strace $0x9000004C  }
0xb2: {  	s29 =	simm.s32 $0x9;
	_ =	strace $0x8000004E  }
0xb3: {  	_ =	swait.ge [sflag:s29], $0x1  }
0xb4: {  	[sflag:s29] =	ssyncadd.s32 $0xFFFFFFFF  }
0xb5: {  	_ =	strace $0x9000004E  }
0xb6: {  	_ =	sfence  }
0xb7: {  	s30 =	sld [smem:$0x0];
	_ =	sdelay $0x2  }
0xb8: {  	s31 =	sshll.u32 s1, $0xD;
	s1 =	sshrl.u32 s1, $0x2  }
0xb9: {  	s3 =	sand.u32 $0x4000, s31;
	s1 =	sadd.s32 s1, s30  }
0xba: {  	s0 =	sor.u32 s3, s0;
	s1 =	sshll.u32 s1, $0x11  }
0xbb: {  	s0 =	sor.u32 s1, s0  }
0xbc: {  	s0 =	sadd.s32 $0x8F2B, s0  }
0xbd: {  	[sflag:s0] =	ssyncadd.remote.s32 $0x1  }
0xbe: {  	_ =	sfence.sel $0xFFFF  }
0xbf: {  	[dreg:$0x0] =	wrdreg $0xFFFFFFFF;
	(pc) =	sbr.abs _section_cstart, $3  }
0xc0: {  	[dreg:$0x1] =	wrdreg $0xFFFFFFFF  }
0xc1: {  	_ =	task.clear_ibuf [dreg:s6], $0x2FFFF;
	_ =	strace $0x9FFFFFFF  }
0xc2: {  	(tm) =	ssettm $0x7FFFFFFF  }
0xc3: {  	_ =	shalt  }
tec
execute0_lowered:
.L_overlay_start_1:
0x0: {  	(tag) =	ssettag $0x1  }
0x1: {  	s6 =	rddreg [dreg:$0x0]  }
0x2: {  	s0 =	srdreg.scid;
	s2 =	rddreg [dreg:$0x1]  }
0x3: {  	s1 =	rddreg [dreg:$0x2];
	s3 =	simm.s32 $0x0;
	s5 =	sand.u32 $0x1, s0  }
0x4: {  	s19 =	simm.s32 $0x100;
	s0 =	stileid.u32;
	s4 =	smul.u32 $0x27100, s5  }
0x5: {  	s20 =	simm.s32 $0x2;
	s21 =	simm.s32 $0x80;
	s7 =	smul.u32 $0x2710, s0  }
0x6: {  	s22 =	simm.s32 $0x50;
	s23 =	simm.s32 $0x1;
	s8 =	smul.u32 $0x140000, s5  }
0x7: {  	s24 =	simm.s32 $0x0;
	[smem:$0x7FF] =	sst s3;
	s28 =	smul.u32 $0x14000, s0  }
0x8: {  	s10 =	smul.u32 $0x50000, s0;
	_ =	strace $0x8000004D;
	s29 =	ssub.s32 $0x2, s5  }
0x9: {  	s31 =	sshrl.u32 s29, $0x1;
	s4 =	sadd.s32 s7, s4;
	s7 =	sadd.s32 s28, s8  }
0xa: {  	s30 =	sshrl.u32 s10, $0x2;
	s16 =	ssub.s32 s29, s31;
	s9 =	sshrl.u32 s4, $0x3  }
0xb: {  	s4 =	sadd.s32 $0x16200, s6;
	s7 =	sshrl.u32 s7, $0x3;
	s5 =	sadd.s32 s30, s2  }
0xc: {  	s16 =	smax.u32 s16, $0x1;
	s18 =	sadd.s32 s9, s6;
	s15 =	sadd.s32 s7, s6  }
0xd: {  	s6 =	sadd.s32 $0x2000, s5;
	s7 =	sadd.s32 $0x4000, s5;
	s8 =	sadd.s32 $0x6000, s5  }
0xe: {  	s9 =	sadd.s32 $0x8000, s5;
	s10 =	sadd.s32 $0xA000, s5;
	s11 =	sadd.s32 $0xC000, s5  }
0xf: {  	s12 =	sadd.s32 $0xE000, s5;
	s13 =	sadd.s32 $0x10000, s5;
	s14 =	sadd.s32 $0x12000, s5  }
0x10: {  	v0 =	vimm.f32 $0.0e+00;
	s15 =	sadd.s32 $0x3D400, s15;
	s17 =	sadd.s32 $0xC400, s18;
	s18 =	sadd.s32 $0x2600, s18  }
.LBB2_1:
0x11: {  	s25 =	simm.s32 $0x0;
	s26 =	simm.s32 $0x200  }
.LBB2_2:
0x12: {  	p0 =	sne.s32 s26, $0x9E00;
	[tilespmem:s25+$0x170] =	vst v0  }
0x13: {  	[tilespmem:s25+$0x100] =	vst v0  }
0x14: {  	[tilespmem:s25+$0x110] =	vst v0  }
.Ltmp0:
0x15: {  	[tilespmem:s25+$0x120] =	vst v0;
	(pc) =	sbr.rel @p0 .LBB2_2-.Ltmp0, $4  }
0x16: {  	[tilespmem:s25+$0x130] =	vst v0  }
0x17: {  	[tilespmem:s25+$0x140] =	vst v0  }
0x18: {  	[tilespmem:s25+$0x150] =	vst v0  }
0x19: {  	[tilespmem:s25+$0x160] =	vst v0;
	s25 =	sshra.s32 s26, $0x2;
	s26 =	sadd.s32 $0x200, s26  }
0x1a: {  	[tilespmem:s25+$0x170] =	vst v0  }
0x1b: {  	[tilespmem:s25+$0x100] =	vst v0  }
0x1c: {  	[tilespmem:s25+$0x110] =	vst v0  }
0x1d: {  	[tilespmem:s25+$0x120] =	vst v0  }
0x1e: {  	[tilespmem:s25+$0x130] =	vst v0  }
0x1f: {  	[tilespmem:s25+$0x140] =	vst v0  }
0x20: {  	[tilespmem:s25+$0x150] =	vst v0  }
0x21: {  	[tilespmem:s25+$0x160] =	vst v0  }
0x22: {  	[spmem:s5] =	stream.linear.scatter [tilespmem:s19], [sflag:$0x2], $0x2000, $0x38;
	[tilespmem:$0x16900] =	vst v63  }
0x23: {  	_ =	swait.ge [sflag:s20], $0x2000  }
0x24: {  	[sflag:s20] =	ssyncset.done $0x0  }
0x25: {  	[sflag:s20] =	ssyncadd.s32 $0xFFFFE000  }
0x26: {  	[spmem:s6] =	stream.linear.scatter [tilespmem:s19], [sflag:$0x2], $0x2000, $0x38;
	[tilespmem:$0x16900] =	vst v63  }
0x27: {  	_ =	swait.ge [sflag:s20], $0x2000  }
0x28: {  	[sflag:s20] =	ssyncset.done $0x0  }
0x29: {  	[sflag:s20] =	ssyncadd.s32 $0xFFFFE000  }
0x2a: {  	[spmem:s7] =	stream.linear.scatter [tilespmem:s19], [sflag:$0x2], $0x2000, $0x38;
	[tilespmem:$0x16900] =	vst v63  }
0x2b: {  	_ =	swait.ge [sflag:s20], $0x2000  }
0x2c: {  	[sflag:s20] =	ssyncset.done $0x0  }
0x2d: {  	[sflag:s20] =	ssyncadd.s32 $0xFFFFE000  }
0x2e: {  	[spmem:s8] =	stream.linear.scatter [tilespmem:s19], [sflag:$0x2], $0x2000, $0x38;
	[tilespmem:$0x16900] =	vst v63  }
0x2f: {  	_ =	swait.ge [sflag:s20], $0x2000  }
0x30: {  	[sflag:s20] =	ssyncset.done $0x0  }
0x31: {  	[sflag:s20] =	ssyncadd.s32 $0xFFFFE000  }
0x32: {  	[spmem:s9] =	stream.linear.scatter [tilespmem:s19], [sflag:$0x2], $0x2000, $0x38;
	[tilespmem:$0x16900] =	vst v63  }
0x33: {  	_ =	swait.ge [sflag:s20], $0x2000  }
0x34: {  	[sflag:s20] =	ssyncset.done $0x0  }
0x35: {  	[sflag:s20] =	ssyncadd.s32 $0xFFFFE000  }
0x36: {  	[spmem:s10] =	stream.linear.scatter [tilespmem:s19], [sflag:$0x2], $0x2000, $0x38;
	[tilespmem:$0x16900] =	vst v63  }
0x37: {  	_ =	swait.ge [sflag:s20], $0x2000  }
0x38: {  	[sflag:s20] =	ssyncset.done $0x0  }
0x39: {  	[sflag:s20] =	ssyncadd.s32 $0xFFFFE000  }
0x3a: {  	[spmem:s11] =	stream.linear.scatter [tilespmem:s19], [sflag:$0x2], $0x2000, $0x38;
	[tilespmem:$0x16900] =	vst v63  }
0x3b: {  	_ =	swait.ge [sflag:s20], $0x2000  }
0x3c: {  	[sflag:s20] =	ssyncset.done $0x0  }
0x3d: {  	[sflag:s20] =	ssyncadd.s32 $0xFFFFE000  }
0x3e: {  	[spmem:s12] =	stream.linear.scatter [tilespmem:s19], [sflag:$0x2], $0x2000, $0x38;
	[tilespmem:$0x16900] =	vst v63  }
0x3f: {  	_ =	swait.ge [sflag:s20], $0x2000  }
0x40: {  	[sflag:s20] =	ssyncset.done $0x0  }
0x41: {  	[sflag:s20] =	ssyncadd.s32 $0xFFFFE000  }
0x42: {  	[spmem:s13] =	stream.linear.scatter [tilespmem:s19], [sflag:$0x2], $0x2000, $0x38;
	[tilespmem:$0x16900] =	vst v63  }
0x43: {  	_ =	swait.ge [sflag:s20], $0x2000  }
0x44: {  	[sflag:s20] =	ssyncset.done $0x0  }
0x45: {  	[sflag:s20] =	ssyncadd.s32 $0xFFFFE000  }
0x46: {  	[spmem:s14] =	stream.linear.scatter [tilespmem:s19], [sflag:$0x2], $0x2000, $0x38;
	[tilespmem:$0x16900] =	vst v63  }
0x47: {  	_ =	swait.ge [sflag:s20], $0x2000  }
0x48: {  	[sflag:s20] =	ssyncset.done $0x0  }
0x49: {  	[sflag:s20] =	ssyncadd.s32 $0xFFFFE000  }
0x4a: {  	s30 =	sadd.s32 $0x0, s18;
	[bflag:$0x0] =	sbarrier.arrive $0xFFFF  }
0x4b: {  	[tilespmem:s3], [sflag:$0x2] =	stream.linear.gather [hbm4b:s30+s3], $0x50, $0x38;
	[tilespmem:$0x16900] =	vst v63  }
0x4c: {  	_ =	swait.ge [sflag:s20], $0x50  }
0x4d: {  	[sflag:s20] =	ssyncset.done $0x0  }
0x4e: {  	s31 =	sadd.s32 $0x0, s17;
	[sflag:s20] =	ssyncadd.s32 $0xFFFFFFB0  }
0x4f: {  	[tilespmem:s21], [sflag:$0x2] =	stream.linear.gather [hbm4b:s31+s3], $0x50, $0x38;
	[tilespmem:$0x16900] =	vst v63  }
0x50: {  	_ =	swait.ge [sflag:s20], $0x50  }
0x51: {  	[sflag:s20] =	ssyncset.done $0x0  }
0x52: {  	[sflag:s20] =	ssyncadd.s32 $0xFFFFFFB0  }
0x53: {  	[tilespmem:s19], [sflag:$0x1] =	stream.indirect.gather [hbm4b:s4+s22], $0x80, s3, s22, $0xb8;
	[tilespmem:$0x16900] =	vst v63  }
0x54: {  	_ =	swait.ge [sflag:s23], $0x2800  }
0x55: {  	[sflag:s23] =	ssyncset.done $0x0  }
0x56: {  	[sflag:s23] =	ssyncadd.s32 $0xFFFFD800  }
0x57: {  	[spmem:s2] =	stream.indirect.scatter.add.f32 [tilespmem:s19], [sflag:$0x2], $0x80, s21, s22, $0xb8;
	[tilespmem:$0x16900] =	vst v63  }
0x58: {  	_ =	swait.ge [sflag:s20], $0x2800  }
0x59: {  	s25 =	simm.s32 $0xA;
	s26 =	simm.s32 $0x14;
	[sflag:s20] =	ssyncset.done $0x0  }
.LBB2_4:
0x5a: {  	s28 =	sadd.s32 s25, s18  }
0x5b: {  	[sflag:s20] =	ssyncadd.s32 $0xFFFFD800;
	s29 =	smov.u32 s26;
	s30 =	sadd.s32 $0xA, s26  }
0x5c: {  	[tilespmem:s3], [sflag:$0x2] =	stream.linear.gather [hbm4b:s28+s3], $0x50, $0x38;
	[tilespmem:$0x16900] =	vst v63  }
0x5d: {  	p0 =	sne.s32 s26, $0x4D8;
	_ =	swait.ge [sflag:s20], $0x50  }
0x5e: {  	[sflag:s20] =	ssyncset.done $0x0  }
0x5f: {  	s26 =	sadd.s32 s25, s17;
	s25 =	smov.u32 s29;
	[sflag:s20] =	ssyncadd.s32 $0xFFFFFFB0  }
0x60: {  	[tilespmem:s21], [sflag:$0x2] =	stream.linear.gather [hbm4b:s26+s3], $0x50, $0x38;
	[tilespmem:$0x16900] =	vst v63  }
0x61: {  	_ =	swait.ge [sflag:s20], $0x50  }
0x62: {  	[sflag:s20] =	ssyncset.done $0x0  }
0x63: {  	[sflag:s20] =	ssyncadd.s32 $0xFFFFFFB0  }
0x64: {  	[tilespmem:s19], [sflag:$0x1] =	stream.indirect.gather [hbm4b:s4+s22], $0x80, s3, s22, $0xb8;
	[tilespmem:$0x16900] =	vst v63  }
0x65: {  	_ =	swait.ge [sflag:s23], $0x2800  }
.Ltmp1:
0x66: {  	[sflag:s23] =	ssyncset.done $0x0;
	(pc) =	sbr.rel @p0 .LBB2_4-.Ltmp1, $4  }
0x67: {  	[sflag:s23] =	ssyncadd.s32 $0xFFFFD800  }
0x68: {  	[spmem:s2] =	stream.indirect.scatter.add.f32 [tilespmem:s19], [sflag:$0x2], $0x80, s21, s22, $0xb8;
	[tilespmem:$0x16900] =	vst v63  }
0x69: {  	_ =	swait.ge [sflag:s20], $0x2800  }
0x6a: {  	s26 =	smov.u32 s30;
	[sflag:s20] =	ssyncset.done $0x0  }
0x6b: {  	s26 =	sadd.s32 s25, s18;
	[sflag:s20] =	ssyncadd.s32 $0xFFFFD800  }
0x6c: {  	[tilespmem:s3], [sflag:$0x2] =	stream.linear.gather [hbm4b:s26+s3], $0x50, $0x38;
	[tilespmem:$0x16900] =	vst v63  }
0x6d: {  	_ =	swait.ge [sflag:s20], $0x50  }
0x6e: {  	[sflag:s20] =	ssyncset.done $0x0  }
0x6f: {  	s29 =	sadd.s32 s25, s17;
	[sflag:s20] =	ssyncadd.s32 $0xFFFFFFB0  }
0x70: {  	[tilespmem:s21], [sflag:$0x2] =	stream.linear.gather [hbm4b:s29+s3], $0x50, $0x38;
	[tilespmem:$0x16900] =	vst v63  }
0x71: {  	_ =	swait.ge [sflag:s20], $0x50  }
0x72: {  	[sflag:s20] =	ssyncset.done $0x0  }
0x73: {  	[sflag:s20] =	ssyncadd.s32 $0xFFFFFFB0  }
0x74: {  	[tilespmem:s19], [sflag:$0x1] =	stream.indirect.gather [hbm4b:s4+s22], $0x80, s3, s22, $0xb8;
	[tilespmem:$0x16900] =	vst v63  }
0x75: {  	_ =	swait.ge [sflag:s23], $0x2800  }
0x76: {  	[sflag:s23] =	ssyncset.done $0x0  }
0x77: {  	[sflag:s23] =	ssyncadd.s32 $0xFFFFD800  }
0x78: {  	[spmem:s2] =	stream.indirect.scatter.add.f32 [tilespmem:s19], [sflag:$0x2], $0x80, s21, s22, $0xb8;
	[tilespmem:$0x16900] =	vst v63  }
0x79: {  	_ =	swait.ge [sflag:s20], $0x2800  }
0x7a: {  	s30 =	sshll.u32 s0, $0x6;
	s24 =	sadd.s32 $0x1, s24;
	[sflag:s20] =	ssyncset.done $0x0  }
0x7b: {  	s31 =	sshrl.u32 s5, $0x3;
	p0 =	sne.s32 s24, s16;
	[sflag:s20] =	ssyncadd.s32 $0xFFFFD800  }
.Ltmp2:
0x7c: {  	s25 =	sor.u32 $0x1C02, s30;
	[bflag:$0x0] =	sbarrier.arrive $0xFFFF;
	(pc) =	sbr.rel @p0 .LBB2_1-.Ltmp2, $4  }
0x7d: {  	[hbm:s15], [sflag:s25] =	dma.local [spmem:s31], $0x2800  }
0x7e: {  	_ =	swait.ge [sflag:s20], $0x2800  }
0x7f: {  	[sflag:s20] =	ssyncset.done $0x0  }
0x80: {  	[sflag:s20] =	ssyncadd.s32 $0xFFFFD800  }
0x81: {  	_ =	sfence.sel $0x180000  }
0x82: {  	[bflag:$0x0] =	sbarrier.arrive $0xFFFF  }
0x83: {  	p0 =	sne.s32 s0, $0x0;
	_ =	strace $0x9000004D  }
0x84: {  	s0 =	sadd.s32 @!p0 $0x100000, s1;
	[bflag:$0x2] =	sbarrier.arrive $0xFFFF  }
0x85: {  	[sflag:s0] =	ssyncadd.tile.s32 @!p0 $0x1;
	_ =	shalt  }
.Lfunc_end2:
_tile_overlayer_lowered:
.L_overlay_start_2:
0x86: {  	(tag) =	ssettag $0x2  }
0x87: {  	s0 =	rddreg [dreg:$0x0];
	s2 =	stileid.u32  }
0x88: {  	s1 =	rddreg [dreg:$0x1];
	p0 =	sne.s32 s2, $0x0  }
0x89: {  	s3 =	rddreg [dreg:$0x2];
	[bflag:$0x3] =	sbarrier.arrive $0xFFFF;
	s2 =	simm.s32 @!p0 $0x1C02  }
0x8a: {  	[timem:s3], [sflag:s2] =	dma.local @!p0 [hbm:s0], s1  }
0x8b: {  	s0 =	simm.s32 @!p0 $0x2  }
0x8c: {  	_ =	swait.ge @!p0 [sflag:s0], s1  }
0x8d: {  	s1 =	ssub.s32 @!p0 $0x0, s1;
	[sflag:s0] =	ssyncset.done @!p0 $0x0  }
0x8e: {  	[sflag:s0] =	ssyncadd.s32 @!p0 s1  }
0x8f: {  	[bflag:$0x3] =	sbarrier.arrive $0xFFFF  }
0x90: {  	_ =	shalt  }

// kernel: kernel.8.cloned.1.call-start
scs
__scs_entry_jumppad:
0x0: {  	(pc) =	sbr.rel $0x88, $3  }
0x1: {  	(tag) =	ssettag $0x0;
	lr =	simm.s32 $0x1  }
0x2: {  	[smem:$0x3F98] =	sst lr;
	_ =	strace $0xD0000000  }
0x3: {  	_ = 	snop  }
0x4: {  	_ = 	snop  }
0x5: {  	_ = 	snop  }
0x6: {  	_ = 	snop  }
0x7: {  	_ = 	snop  }
__scs_overlays_trampoline_lowered:
0x8: {  	[smem:$0x3FA7] =	sst s0  }
0x9: {  	[smem:$0x3FA8] =	sst s1  }
0xa: {  	[smem:$0x3FA9] =	sst s2  }
0xb: {  	[smem:$0x3FAA] =	sst s3  }
0xc: {  	[smem:$0x3FAB] =	sst s4  }
0xd: {  	[smem:$0x3FAC] =	sst s5  }
0xe: {  	[smem:$0x3FAD] =	sst s6  }
0xf: {  	[smem:$0x3FAE] =	sst s7  }
0x10: {  	[smem:$0x3FAF] =	sst s8  }
0x11: {  	[smem:$0x3FB0] =	sst s9;
	s0 =	simm.s32 @!p0 $0x0  }
0x12: {  	s1 =	sld [smem:$0x3F96];
	s0 =	simm.s32 @p0 $0x1  }
0x13: {  	[smem:$0x3FB1] =	sst s0;
	s0 =	simm.s32 @!p1 $0x0  }
0x14: {  	s2 =	sld [smem:$0x3F95];
	s0 =	simm.s32 @p1 $0x1  }
0x15: {  	[smem:$0x3FB2] =	sst s0;
	s0 =	simm.s32 @!p2 $0x0  }
0x16: {  	s3 =	sld [smem:$0x3FDB];
	s0 =	simm.s32 @p2 $0x1  }
0x17: {  	s4 =	simm.s32 $0x1BF5;
	[smem:$0x3FB4] =	sst s0  }
0x18: {  	s0 =	sld [smem:$0x3F97];
	_ =	swait.ge [sflag:s4], $0x0  }
0x19: {  	s7 =	sld [smem:$0x3F98]  }
0x1a: {  	s8 =	sadd.s32 $0xFFFFE003, lr  }
0x1b: {  	s9 =	sadd.s32 $0xFFFFFEF7, lr;
	s5 =	simm.s32 $0xFFFFFFFF;
	p2 =	slt.u32 s8, $0xFFFFF086  }
0x1c: {  	p1 =	slt.u32 s9, $0xF7A;
	s5 =	simm.s32 @!p2 $0x0  }
0x1d: {  	s5 =	simm.s32 @p1 $0x1;
	p0 =	seq.s32 s7, s2  }
0x1e: {  	s7 =	smul.u32 @!p0 $0xF7A, s2;
	p2 =	seq.s32 @!p0 s5, $0x0  }
0x1f: {  	s9 =	smul.u32 $0xF7A, s1;
	s8 =	simm.s32 @!p0 $0x1BF5;
	p2 =	por !p2, p0  }
0x20: {  	[sflag:s8] =	ssyncset.s32 @!p0 $0xFFFFF086;
	s6 =	sadd.s32 @!p0 s3, s7;
	s7 =	simm.s32 @!p0 $0x108  }
0x21: {  	s3 =	sadd.s32 s3, s9;
	s6 =	sadd.s32 @!p0 $0x88, s6;
	s7 =	simm.s32 @p2 $0x1082  }
0x22: {  	[simem:s7], [sflag:s8] =	dma.local @!p0 [hbm:s6], $0xF7A  }
0x23: {  	s9 =	sor.u32 $0xD0000000, s2;
	s6 =	simm.s32 $0x108;
	_ =	swait.ge @!p0 [sflag:s8], $0x0  }
0x24: {  	s3 =	sadd.s32 $0x88, s3;
	s6 =	simm.s32 @!p1 $0x1082;
	[sflag:s4] =	ssyncset.s32 $0xFFFFF086  }
0x25: {  	[simem:s6], [sflag:s4] =	dma.local [hbm:s3], $0xF7A  }
0x26: {  	[smem:$0x3F98] =	sst s1;
	(tag) =	ssettag s2;
	_ =	strace s9  }
0x27: {  	s1 =	sld [smem:$0x3FA8]  }
0x28: {  	s2 =	sld [smem:$0x3FA9]  }
0x29: {  	s4 =	sld [smem:$0x3FAB]  }
0x2a: {  	p0 =	seq.s32 s5, $0x0;
	s5 =	sld [smem:$0x3FAC]  }
0x2b: {  	s6 =	sld [smem:$0x3FAD]  }
0x2c: {  	s7 =	sld [smem:$0x3FAE]  }
0x2d: {  	s3 =	simm.s32 $0x108;
	s8 =	sld [smem:$0x3FAF]  }
0x2e: {  	s3 =	simm.s32 @!p0 $0x1082;
	s9 =	sld [smem:$0x3FB0]  }
0x2f: {  	lr =	sadd.s32 s0, s3;
	s0 =	sld [smem:$0x3FA7]  }
0x30: {  	s3 =	sld [smem:$0x3FAA]  }
0x31: {  	[smem:$0x3FB3] =	sst s10  }
0x32: {  	s10 =	sld [smem:$0x3FB1];
	_ =	sdelay $0x3  }
0x33: {  	p0 =	seq.s32 s10, $0x1;
	s10 =	sld [smem:$0x3FB3];
	_ =	sdelay $0x3  }
0x34: {  	[smem:$0x3FB3] =	sst s10  }
0x35: {  	s10 =	sld [smem:$0x3FB2];
	_ =	sdelay $0x3  }
0x36: {  	p1 =	seq.s32 s10, $0x1;
	s10 =	sld [smem:$0x3FB3];
	_ =	sdelay $0x3  }
0x37: {  	[smem:$0x3FB3] =	sst s10  }
0x38: {  	s10 =	sld [smem:$0x3FB4]  }
0x39: {  	_ = 	snop;
	(pc) =	sbr.ind lr, $3  }
0x3a: {  	_ = 	snop  }
0x3b: {  	_ = 	snop  }
0x3c: {  	p2 =	seq.s32 s10, $0x1;
	s10 =	sld [smem:$0x3FB3]  }
0x3d: {  	_ =	shalt  }
0x3e: {  	_ =	shalt  }
0x3f: {  	_ =	shalt  }
0x40: {  	_ =	shalt  }
0x41: {  	_ =	shalt  }
0x42: {  	_ =	shalt  }
0x43: {  	_ =	shalt  }
0x44: {  	_ =	shalt  }
0x45: {  	_ =	shalt  }
0x46: {  	_ =	shalt  }
0x47: {  	_ =	shalt  }
0x48: {  	_ =	shalt  }
0x49: {  	_ =	shalt  }
0x4a: {  	_ =	shalt  }
0x4b: {  	_ =	shalt  }
0x4c: {  	_ =	shalt  }
0x4d: {  	_ =	shalt  }
0x4e: {  	_ =	shalt  }
0x4f: {  	_ =	shalt  }
0x50: {  	_ =	shalt  }
0x51: {  	_ =	shalt  }
0x52: {  	_ =	shalt  }
0x53: {  	_ =	shalt  }
0x54: {  	_ =	shalt  }
0x55: {  	_ =	shalt  }
0x56: {  	_ =	shalt  }
0x57: {  	_ =	shalt  }
0x58: {  	_ =	shalt  }
0x59: {  	_ =	shalt  }
0x5a: {  	_ =	shalt  }
0x5b: {  	_ =	shalt  }
0x5c: {  	_ =	shalt  }
0x5d: {  	_ =	shalt  }
0x5e: {  	_ =	shalt  }
0x5f: {  	_ =	shalt  }
0x60: {  	_ =	shalt  }
0x61: {  	_ =	shalt  }
0x62: {  	_ =	shalt  }
0x63: {  	_ =	shalt  }
0x64: {  	_ =	shalt  }
0x65: {  	_ =	shalt  }
0x66: {  	_ =	shalt  }
0x67: {  	_ =	shalt  }
0x68: {  	_ =	shalt  }
0x69: {  	_ =	shalt  }
0x6a: {  	_ =	shalt  }
0x6b: {  	_ =	shalt  }
0x6c: {  	_ =	shalt  }
0x6d: {  	_ =	shalt  }
0x6e: {  	_ =	shalt  }
0x6f: {  	_ =	shalt  }
0x70: {  	_ =	shalt  }
0x71: {  	_ =	shalt  }
0x72: {  	_ =	shalt  }
0x73: {  	_ =	shalt  }
0x74: {  	_ =	shalt  }
0x75: {  	_ =	shalt  }
0x76: {  	_ =	shalt  }
0x77: {  	_ =	shalt  }
0x78: {  	_ =	shalt  }
0x79: {  	_ =	shalt  }
0x7a: {  	_ =	shalt  }
0x7b: {  	_ =	shalt  }
0x7c: {  	_ =	shalt  }
0x7d: {  	_ =	shalt  }
0x7e: {  	_ =	shalt  }
0x7f: {  	_ =	shalt  }
0x80: {  	_ =	shalt  }
0x81: {  	_ =	shalt  }
0x82: {  	_ =	shalt  }
0x83: {  	_ =	shalt  }
0x84: {  	_ =	shalt  }
0x85: {  	_ =	shalt  }
0x86: {  	_ =	shalt  }
0x87: {  	_ =	shalt  }
.Lfunc_end0:
.L_simem_size_0:
called_computation_lowered:
.L_overlay_start_0:
0x88: {  	s2 =	sld [smem:$0x3FD9]  }
0x89: {  	s3 =	sld [smem:$0x3FFE];
	_ =	sdelay $0x1  }
0x8a: {  	s1 =	srdreg.scid  }
0x8b: {  	s0 =	sand.u32 $0x1, s1  }
0x8c: {  	s16 =	sshll.u32 s0, $0xA;
	s2 =	sadd.s32 s3, s2  }
0x8d: {  	s2 =	sadd.s32 s2, s16  }
0x8e: {  	[smem:$0x3FBF] =	sst s2  }
0x8f: {  	_ = 	snop  }
0x90: {  	(tm) =	ssettm $0x1  }
0x91: {  	s17 =	sld [smem:$0x3FFB];
	_ =	sdelay $0x3  }
0x92: {  	_ =	strace s17  }
0x93: {  	s2 =	sld [smem:$0x3FFC];
	_ =	sdelay $0x3  }
0x94: {  	_ =	strace s2  }
0x95: {  	s2 =	sld [smem:$0x3FFD];
	_ =	sdelay $0x3  }
0x96: {  	_ =	strace s2  }
0x97: {  	_ =	strace $0x8FFFFFFF  }
0x98: {  	s18 =	sld [smem:$0x3FDB];
	_ =	sdelay $0x1  }
0x99: {  	s19 =	simm.s32 $_scs_section_size  }
0x9a: {  	s4 =	simm.s32 $_size__tile_overlayer_lowered;
	s5 =	simm.s32 $_tile_overlayer_lowered  }
0x9b: {  	s22 =	simm.s32 $0x1BFF;
	s21 =	sshll.u32 s5, $0x1;
	s2 =	sadd.s32 s19, s18  }
0x9c: {  	s6 =	simm.s32 $0x0;
	s20 =	sshll.u32 s4, $0x1;
	s4 =	sadd.s32 s21, s2  }
0x9d: {  	[timem:s6], [sflag:s22] =	dma.local [hbm:s4], s20  }
0x9e: {  	_ =	swait.ge [sflag:s22], s20  }
0x9f: {  	s3 =	ssub.s32 $0x0, s20;
	[sflag:s22] =	ssyncset.done $0x0  }
0xa0: {  	[sflag:s22] =	ssyncadd.s32 s3;
	_ =	sdelay $0x1  }
0xa1: {  	s23 =	simm.s32 $0x1B8B  }
0xa2: {  	_ =	swait.ge [sflag:s23], $0x1  }
0xa3: {  	[sflag:s23] =	ssyncset.done $0x0  }
0xa4: {  	s25 =	simm.s32 $0x1B8E;
	s24 =	sld [smem:$0x3FFE];
	[sflag:s23] =	ssyncadd.s32 $0xFFFFFFFF  }
0xa5: {  	s26 =	simm.s32 $execute0_lowered;
	[smem:$0x3FD2] =	sst s25  }
0xa6: {  	s4 =	sshll.u32 s26, $0x1;
	_ =	strace $0x80000046;
	[dreg:$0x1] =	wrdreg $0xFFFFFFFF  }
0xa7: {  	s28 =	simm.s32 $_size_execute0_lowered;
	s2 =	sadd.s32 s2, s4;
	[dreg:$0x0] =	wrdreg $0x0  }
0xa8: {  	s4 =	sshll.u32 s28, $0x1;
	[dreg:$0x2] =	wrdreg s2  }
0xa9: {  	[dreg:$0x3] =	wrdreg s4  }
0xaa: {  	[dreg:$0x4] =	wrdreg $0xC0  }
0xab: {  	_ =	task [dreg:s6], $0x5FFFF  }
0xac: {  	[dreg:$0x1] =	wrdreg $0xFFFFFFFF  }
0xad: {  	[dreg:$0x0] =	wrdreg $0x60  }
0xae: {  	[dreg:$0x2] =	wrdreg s24  }
0xaf: {  	[dreg:$0x3] =	wrdreg $0x9  }
0xb0: {  	_ =	task.clear_ibuf [dreg:s6], $0x4FFFF;
	_ =	strace $0x90000046  }
0xb1: {  	s29 =	simm.s32 $0x9;
	_ =	strace $0x80000048  }
0xb2: {  	_ =	swait.ge [sflag:s29], $0x1  }
0xb3: {  	[sflag:s29] =	ssyncadd.s32 $0xFFFFFFFF  }
0xb4: {  	_ =	strace $0x90000048  }
0xb5: {  	_ =	sfence  }
0xb6: {  	s30 =	sld [smem:$0x0];
	_ =	sdelay $0x2  }
0xb7: {  	s31 =	sshll.u32 s1, $0xD;
	s1 =	sshrl.u32 s1, $0x2  }
0xb8: {  	s3 =	sand.u32 $0x4000, s31;
	s1 =	sadd.s32 s1, s30  }
0xb9: {  	s0 =	sor.u32 s3, s0;
	s1 =	sshll.u32 s1, $0x11  }
0xba: {  	s0 =	sor.u32 s1, s0  }
0xbb: {  	s0 =	sadd.s32 $0x8F2B, s0  }
0xbc: {  	[sflag:s0] =	ssyncadd.remote.s32 $0x1  }
0xbd: {  	_ =	sfence.sel $0xFFFF  }
0xbe: {  	[dreg:$0x0] =	wrdreg $0xFFFFFFFF;
	(pc) =	sbr.abs _section_cstart, $3  }
0xbf: {  	[dreg:$0x1] =	wrdreg $0xFFFFFFFF  }
0xc0: {  	_ =	task.clear_ibuf [dreg:s6], $0x2FFFF;
	_ =	strace $0x9FFFFFFF  }
0xc1: {  	(tm) =	ssettm $0x7FFFFFFF  }
tec
execute0_lowered:
.L_overlay_start_1:
0x0: {  	(tag) =	ssettag $0x1  }
0x1: {  	s0 =	srdreg.scid  }
0x2: {  	s3 =	sand.u32 $0x1, s0  }
0x3: {  	s4 =	rddreg [dreg:$0x0];
	s0 =	stileid.u32;
	s1 =	sshll.u32 s3, $0x4  }
0x4: {  	s2 =	simm.s32 $0x0;
	s8 =	simm.s32 $0x0;
	s5 =	sor.u32 s0, s1  }
0x5: {  	[smem:$0x7FF] =	sst s2;
	s3 =	ssub.s32 $0x2, s3;
	s6 =	smul.u32 $0x4E2, s5  }
0x6: {  	s1 =	rddreg [dreg:$0x1];
	s7 =	sshrl.u32 s3, $0x1;
	s5 =	smul.u32 $0x500, s5  }
0x7: {  	_ =	strace $0x80000047;
	s31 =	ssub.s32 s3, s7;
	s7 =	simm.s32 $0x2780  }
0x8: {  	s6 =	sadd.s32 s6, s4;
	s4 =	sadd.s32 s5, s4;
	s5 =	smax.u32 s31, $0x1  }
0x9: {  	v0 =	vimm.f32 $0.0e+00;
	v1 =	vimm.f32 $1.000000000e+00;
	s3 =	sadd.s32 $0xC400, s6;
	s4 =	sadd.s32 $0x16200, s4;
	s6 =	simm.s32 $0x1  }
.LBB2_1:
0xa: {  	s9 =	simm.s32 $0x40;
	s10 =	simm.s32 $0x0  }
.LBB2_2:
0xb: {  	p0 =	sne.s32 s9, $0x9FC0;
	[tilespmem:s10+$0x2780] =	vst v0;
	s10 =	smov.u32 s9;
	s9 =	sadd.s32 $0x40, s9  }
.Ltmp0:
0xc: {  	(pc) =	sbr.rel @p0 .LBB2_2-.Ltmp0, $2  }
0xd: {  	_ =	sdelay $0x2  }
0xe: {  	s10 =	sshra.s32 s10, $0x2  }
0xf: {  	[tilespmem:s10+$0x2780] =	vst v0;
	s9 =	simm.s32 $0x0  }
0x10: {  	[tilespmem:s9], [sflag:$0x1] =	stream.linear.gather [hbm4b:s3+s9], $0x2710, $0x38;
	[tilespmem:$0x4F80] =	vst v63  }
0x11: {  	_ =	swait.ge [sflag:s6], $0x2710  }
0x12: {  	[sflag:s6] =	ssyncset.done $0x0  }
0x13: {  	s10 =	simm.s32 $0x0;
	s9 =	simm.s32 $0x40;
	[sflag:s6] =	ssyncadd.s32 $0xFFFFD8F0  }
.LBB2_4:
0x14: {  	p0 =	sne.s32 s9, $0x9C00;
	v2 =	vld [tilespmem:s10+$0x0];
	_ =	sdelay $0x3  }
.Ltmp1:
0x15: {  	(pc) =	sbr.rel @p0 .LBB2_4-.Ltmp1, $2  }
0x16: {  	_ =	sdelay $0x2  }
0x17: {  	s10 =	sshra.s32 s9, $0x2;
	s9 =	sadd.s32 $0x40, s9;
	[tilespmem:v2+s7+$0x0] =	vst.idx.add.f32.msk $0xffff, v1  }
0x18: {  	v2 =	vld [tilespmem:s10+$0x0];
	_ =	sdelay $0x5  }
0x19: {  	s8 =	sadd.s32 $0x1, s8  }
0x1a: {  	p0 =	sne.s32 s8, s5  }
.Ltmp2:
0x1b: {  	[tilespmem:v2+s7+$0x0] =	vst.idx.add.f32.msk $0xffff, v1;
	(pc) =	sbr.rel @p0 .LBB2_1-.Ltmp2, $4  }
0x1c: {  	[hbm4b:s4+s2] =	stream.linear.scatter [tilespmem:s7], [sflag:$0x1], $0x2800, $0x38;
	[tilespmem:$0x4F80] =	vst v63  }
0x1d: {  	_ =	swait.ge [sflag:s6], $0x2800  }
0x1e: {  	[sflag:s6] =	ssyncset.done $0x0  }
0x1f: {  	[sflag:s6] =	ssyncadd.s32 $0xFFFFD800  }
0x20: {  	_ =	sfence.sel $0x180000  }
0x21: {  	[bflag:$0x0] =	sbarrier.arrive $0xFFFF  }
0x22: {  	p0 =	sne.s32 s0, $0x0;
	_ =	strace $0x90000047  }
0x23: {  	s0 =	sadd.s32 @!p0 $0x100000, s1;
	[bflag:$0x2] =	sbarrier.arrive $0xFFFF  }
0x24: {  	[sflag:s0] =	ssyncadd.tile.s32 @!p0 $0x1;
	_ =	shalt  }
.Lfunc_end2:
_tile_overlayer_lowered:
.L_overlay_start_2:
0x25: {  	(tag) =	ssettag $0x2  }
0x26: {  	s0 =	rddreg [dreg:$0x0];
	s2 =	stileid.u32  }
0x27: {  	s1 =	rddreg [dreg:$0x1];
	p0 =	sne.s32 s2, $0x0  }
0x28: {  	s3 =	rddreg [dreg:$0x2];
	[bflag:$0x3] =	sbarrier.arrive $0xFFFF;
	s2 =	simm.s32 @!p0 $0x1C01  }
0x29: {  	[timem:s3], [sflag:s2] =	dma.local @!p0 [hbm:s0], s1  }
0x2a: {  	s0 =	simm.s32 @!p0 $0x1  }
0x2b: {  	_ =	swait.ge @!p0 [sflag:s0], s1  }
0x2c: {  	s1 =	ssub.s32 @!p0 $0x0, s1;
	[sflag:s0] =	ssyncset.done @!p0 $0x0  }
0x2d: {  	[sflag:s0] =	ssyncadd.s32 @!p0 s1  }
0x2e: {  	[bflag:$0x3] =	sbarrier.arrive $0xFFFF  }
0x2f: {  	_ =	shalt  }

</sc_bundles>
